<compile_context>
chip_gen: v7x
topology: tpu7x:2x2x1
jax: 0.10.2.dev20260603
libtpu: 0.0.44.dev20260713+nightly
codegen_flags: <defaults>
</compile_context>

<pallas_src>
import functools

import jax
import jax.numpy as jnp
from jax import lax
from jax.experimental import pallas as pl
from jax.experimental.pallas import tpu as pltpu
from jax.experimental.pallas import tpu_sc as plsc

_NUM_EXPERTS = 64
_BLOCK_TOKENS = 4096
_LANES = 16


def _router_kernel(x_ref, w_ref, probs_ref):
    x = x_ref[0]
    logits = jax.lax.dot_general(
        w_ref[...], x,
        dimension_numbers=(((1,), (1,)), ((), ())),
        preferred_element_type=jnp.float32,
    )
    m1 = jnp.max(logits, axis=0, keepdims=True)
    e = jnp.exp(logits - m1)
    s = jnp.sum(e, axis=0, keepdims=True)
    probs_ref[0] = e / s


def _make_topk_sc(b, s):
    info = plsc.get_sparse_core_info()
    n_workers = info.num_cores * info.num_subcores
    tokens = b * s
    tok_per_w = tokens // n_workers
    chunk = 512
    n_chunks = tok_per_w // chunk
    slices_per_batch = s // tok_per_w
    mesh = plsc.VectorSubcoreMesh(core_axis_name="c", subcore_axis_name="s")

    @functools.partial(
        pl.kernel, mesh=mesh,
        out_type=[
            jax.ShapeDtypeStruct((b, 2, s), jnp.float32),
            jax.ShapeDtypeStruct((b, 2, s), jnp.int32),
        ],
        scratch_types=[
            pltpu.VMEM((_NUM_EXPERTS, chunk), jnp.float32),
            pltpu.VMEM((2, chunk), jnp.float32),
            pltpu.VMEM((2, chunk), jnp.int32),
        ],
    )
    def topk_sc(probs_hbm, w_hbm, i_hbm, p_v, w_v, i_v):
        wid = lax.axis_index("s") * info.num_cores + lax.axis_index("c")
        batch = wid // slices_per_batch
        base = (wid % slices_per_batch) * tok_per_w

        def do_chunk(ci, _):
            off = base + ci * chunk
            pltpu.sync_copy(probs_hbm.at[batch, :, pl.ds(off, chunk)], p_v)

            def do_group(g, _):
                col = pl.ds(g * _LANES, _LANES)
                m1 = p_v[0, col]
                i1 = jnp.zeros((_LANES,), jnp.int32)
                m2 = jnp.full((_LANES,), -1.0, jnp.float32)
                i2 = jnp.zeros((_LANES,), jnp.int32)
                for e in range(1, _NUM_EXPERTS):
                    v = p_v[e, col]
                    ev = jnp.full((_LANES,), e, jnp.int32)
                    gt1 = v > m1
                    gt2 = v > m2
                    m2n = jnp.where(gt2, v, m2)
                    i2n = jnp.where(gt2, ev, i2)
                    m2 = jnp.where(gt1, m1, m2n)
                    i2 = jnp.where(gt1, i1, i2n)
                    m1 = jnp.where(gt1, v, m1)
                    i1 = jnp.where(gt1, ev, i1)
                t = m1 + m2
                w_v[0, col] = m1 / t
                w_v[1, col] = m2 / t
                i_v[0, col] = i1
                i_v[1, col] = i2
                return 0

            lax.fori_loop(0, chunk // _LANES, do_group, 0, unroll=False)
            pltpu.sync_copy(w_v, w_hbm.at[batch, :, pl.ds(off, chunk)])
            pltpu.sync_copy(i_v, i_hbm.at[batch, :, pl.ds(off, chunk)])
            return 0

        lax.fori_loop(0, n_chunks, do_chunk, 0, unroll=False)

    return topk_sc


@jax.jit
def kernel(x, W):
    b, s, d = x.shape
    grid = (b, s // _BLOCK_TOKENS)
    probs_t = pl.pallas_call(
        _router_kernel,
        grid=grid,
        in_specs=[
            pl.BlockSpec((1, _BLOCK_TOKENS, d), lambda i, j: (i, j, 0)),
            pl.BlockSpec((_NUM_EXPERTS, d), lambda i, j: (0, 0)),
        ],
        out_specs=pl.BlockSpec((1, _NUM_EXPERTS, _BLOCK_TOKENS), lambda i, j: (i, 0, j)),
        out_shape=jax.ShapeDtypeStruct((b, _NUM_EXPERTS, s), jnp.float32),
        compiler_params=pltpu.CompilerParams(
            dimension_semantics=("parallel", "parallel"),
        ),
    )(x, W)
    weights_t, indices_t = _make_topk_sc(b, s)(probs_t)
    return (
        jnp.transpose(weights_t, (0, 2, 1)),
        jnp.transpose(indices_t, (0, 2, 1)),
        jnp.transpose(probs_t, (0, 2, 1)),
    )

# --- scband reference (transcript-rebuilt; emitter-appended) ---
"""Pipeline reference for scband-top-krouter-5514738008954 (READ-ONLY COPY).

The authoritative reference and input builder live on the scoring server;
editing this copy changes nothing except your own understanding.
"""

import jax, jax.numpy as jnp
import numpy as np

D_MODEL = 768
NUM_EXPERTS = 64
TOP_K = 2


def setup_inputs(seed: int = 0) -> dict:
    key = jax.random.key(seed)
    k1, k2 = jax.random.split(key)
    x = jax.random.normal(k1, (4, 8192, D_MODEL), dtype=jnp.float32)
    # nn.Linear(d_model, num_experts, bias=False) weight: [num_experts, d_model]
    W = jax.random.normal(k2, (NUM_EXPERTS, D_MODEL), dtype=jnp.float32) * (1.0 / np.sqrt(D_MODEL))
    return {"x": x, "W": W}


def reference(x, W):
    # router_logits = self.gate(x)  -> x @ W.T
    router_logits = jnp.einsum('bsd,ed->bse', x, W)
    # eval mode: no noise injection
    router_probs = jax.nn.softmax(router_logits, axis=-1)
    top_k_logits, top_k_indices = jax.lax.top_k(router_logits, TOP_K)
    top_k_weights = jax.nn.softmax(top_k_logits, axis=-1)
    return (top_k_weights, top_k_indices, router_probs)

if __name__ == "__main__":
    import jax
    _d = setup_inputs()
    print(jax.jit(kernel)(*tuple(_d.values())))

</pallas_src>

<mosaic_0001>
#map = affine_map<(d0, d1) -> (0, 0, 0)>
module attributes {stable_mosaic.version = 14 : i64} {
  func.func @topk_sc(%arg0: i32, %arg1: i32, %arg2: memref<4x64x8192xf32, #tpu.memory_space<hbm>>, %arg3: memref<4x2x8192xf32, #tpu.memory_space<hbm>>, %arg4: memref<4x2x8192xi32, #tpu.memory_space<hbm>>, %arg5: memref<64x512xf32, #tpu.memory_space<vmem>>, %arg6: memref<2x512xf32, #tpu.memory_space<vmem>>, %arg7: memref<2x512xi32, #tpu.memory_space<vmem>>) attributes {dimension_semantics = [#tpu.dimension_semantics<core_parallel>, #tpu.dimension_semantics<subcore_parallel>], iteration_bounds = array<i64: 2, 16>, scalar_prefetch = 0 : i64, scratch_operands = 3 : i64, tpu.core_type = #tpu.core_type<sc_vector_subcore>, window_params = [{transform_indices = #map}, {transform_indices = #map}, {transform_indices = #map}]} {
    %mul3A = arith.constant 2 : i32
    %mul3A_0 = arith.muli %arg1, %mul3A : i32
    %add3A = arith.addi %mul3A_0, %arg0 : i32
    %jit3A = arith.constant 8 : i32
    %div3A = arith.divsi %add3A, %jit3A : i32
    %sign3A = arith.constant 0 : i32
    %sign3A_1 = arith.cmpi sgt, %add3A, %sign3A : i32
    %sign3A_2 = arith.extui %sign3A_1 : i1 to i32
    %sign3A_3 = arith.constant 0 : i32
    %sign3A_4 = arith.cmpi slt, %add3A, %sign3A_3 : i32
    %sign3A_5 = arith.extui %sign3A_4 : i1 to i32
    %sign3A_6 = arith.subi %sign3A_2, %sign3A_5 : i32
    %sign3A_7 = arith.constant 0 : i32
    %sign3A_8 = arith.cmpi sgt, %jit3A, %sign3A_7 : i32
    %sign3A_9 = arith.extui %sign3A_8 : i1 to i32
    %sign3A_10 = arith.constant 0 : i32
    %sign3A_11 = arith.cmpi slt, %jit3A, %sign3A_10 : i32
    %sign3A_12 = arith.extui %sign3A_11 : i1 to i32
    %sign3A_13 = arith.subi %sign3A_9, %sign3A_12 : i32
    %ne3A = arith.cmpi ne, %sign3A_6, %sign3A_13 : i32
    %rem3A = arith.remsi %add3A, %jit3A : i32
    %ne3A_14 = arith.constant 0 : i32
    %ne3A_15 = arith.cmpi ne, %rem3A, %ne3A_14 : i32
    %and3A = arith.andi %ne3A, %ne3A_15 : i1
    %sub3A = arith.constant 1 : i32
    %sub3A_16 = arith.subi %div3A, %sub3A : i32
    %select_n3A = arith.select %and3A, %sub3A_16, %div3A : i32
    %jit3A_17 = arith.constant 8 : i32
    %eq3A = arith.constant 0 : i32
    %eq3A_18 = arith.cmpi eq, %jit3A_17, %eq3A : i32
    %jit3A_19 = arith.constant 1 : i32
    %select_n3A_20 = arith.select %eq3A_18, %jit3A_19, %jit3A_17 : i32
    %rem3A_21 = arith.remsi %add3A, %select_n3A_20 : i32
    %ne3A_22 = arith.constant 0 : i32
    %ne3A_23 = arith.cmpi ne, %rem3A_21, %ne3A_22 : i32
    %lt3A = arith.constant 0 : i32
    %lt3A_24 = arith.cmpi slt, %rem3A_21, %lt3A : i32
    %lt3A_25 = arith.constant 0 : i32
    %lt3A_26 = arith.cmpi slt, %select_n3A_20, %lt3A_25 : i32
    %ne3A_27 = arith.xori %lt3A_24, %lt3A_26 : i1
    %and3A_28 = arith.andi %ne3A_27, %ne3A_23 : i1
    %add3A_29 = arith.addi %rem3A_21, %select_n3A_20 : i32
    %select_n3A_30 = arith.select %and3A_28, %add3A_29, %rem3A_21 : i32
    %mul3A_31 = arith.constant 1024 : i32
    %mul3A_32 = arith.muli %select_n3A_30, %mul3A_31 : i32
    %scan3A = arith.constant 0 : i32
    %scan3A_33 = arith.constant 0 : i32
    %scan3A_34 = arith.constant 2 : i32
    %scan3A_35 = arith.addi %scan3A_33, %scan3A_34 : i32
    %scan3A_36 = arith.constant 1 : i32
    %scan3A_37 = scf.for %scan3A_39 = %scan3A_33 to %scan3A_35 step %scan3A_36 iter_args(%scan3A_40 = %scan3A) -> (i32)  : i32 {
      %mul3A_41 = arith.constant 512 : i32
      %mul3A_42 = arith.muli %scan3A_39, %mul3A_41 : i32
      %add3A_43 = arith.addi %mul3A_32, %mul3A_42 : i32
      "tpu.region"() ({
        %run_scoped3A = tpu.sem_alloc : memref<!tpu.dma_semaphore, #tpu.memory_space<semaphore_mem>>
        %dma_start3A = arith.constant 0 : i32
        %dma_start3A_52 = tpu.memref_slice %arg2[%select_n3A, %dma_start3A, %add3A_43] : memref<4x64x8192xf32, #tpu.memory_space<hbm>> -> memref<1x64x512xf32, #tpu.memory_space<hbm>>
        %dma_start3A_53 = tpu.memref_squeeze %dma_start3A_52 : memref<1x64x512xf32, #tpu.memory_space<hbm>> -> memref<64x512xf32, #tpu.memory_space<hbm>>
        %dma_start3A_54 = arith.constant 0 : i32
        %dma_start3A_55 = tpu.memref_slice %arg2[%select_n3A, %dma_start3A_54, %add3A_43] : memref<4x64x8192xf32, #tpu.memory_space<hbm>> -> memref<1x64x512xf32, #tpu.memory_space<hbm>>
        %dma_start3A_56 = tpu.memref_squeeze %dma_start3A_55 : memref<1x64x512xf32, #tpu.memory_space<hbm>> -> memref<64x512xf32, #tpu.memory_space<hbm>>
        tpu.enqueue_dma source(%dma_start3A_56 : memref<64x512xf32, #tpu.memory_space<hbm>>) target(%arg5 : memref<64x512xf32, #tpu.memory_space<vmem>>) target_semaphore(%run_scoped3A : memref<!tpu.dma_semaphore, #tpu.memory_space<semaphore_mem>>)
        %dma_wait3A = arith.constant 0 : i32
        %dma_wait3A_57 = tpu.memref_slice %arg2[%select_n3A, %dma_wait3A, %add3A_43] : memref<4x64x8192xf32, #tpu.memory_space<hbm>> -> memref<1x64x512xf32, #tpu.memory_space<hbm>>
        %dma_wait3A_58 = tpu.memref_squeeze %dma_wait3A_57 : memref<1x64x512xf32, #tpu.memory_space<hbm>> -> memref<64x512xf32, #tpu.memory_space<hbm>>
        %dma_wait3A_59 = arith.constant 0 : i32
        %dma_wait3A_60 = tpu.memref_slice %arg2[%select_n3A, %dma_wait3A_59, %add3A_43] : memref<4x64x8192xf32, #tpu.memory_space<hbm>> -> memref<1x64x512xf32, #tpu.memory_space<hbm>>
        %dma_wait3A_61 = tpu.memref_squeeze %dma_wait3A_60 : memref<1x64x512xf32, #tpu.memory_space<hbm>> -> memref<64x512xf32, #tpu.memory_space<hbm>>
        tpu.wait_dma2 semaphore(%run_scoped3A : memref<!tpu.dma_semaphore, #tpu.memory_space<semaphore_mem>>) src(%dma_wait3A_61 : memref<64x512xf32, #tpu.memory_space<hbm>>) dst(%arg5 : memref<64x512xf32, #tpu.memory_space<vmem>>)
        tpu.yield
      }) : () -> ()
      %scan3A_44 = arith.constant 0 : i32
      %scan3A_45 = arith.constant 0 : i32
      %scan3A_46 = arith.constant 32 : i32
      %scan3A_47 = arith.addi %scan3A_45, %scan3A_46 : i32
      %scan3A_48 = arith.constant 1 : i32
      %scan3A_49 = scf.for %scan3A_52 = %scan3A_45 to %scan3A_47 step %scan3A_48 iter_args(%scan3A_53 = %scan3A_44) -> (i32)  : i32 {
        %mul3A_54 = arith.constant 16 : i32
        %mul3A_55 = arith.muli %scan3A_52, %mul3A_54 : i32
        %get3A = arith.constant 0 : i32
        %get3A_56 = arith.index_cast %get3A : i32 to index
        %get3A_57 = arith.index_cast %mul3A_55 : i32 to index
        %get3A_58 = tpu.vector_load %arg5[%get3A_56, %get3A_57] {strides = array<i32>} : memref<64x512xf32, #tpu.memory_space<vmem>>, vector<1x16xf32>,
        %get3A_59 = vector.shape_cast %get3A_58 : vector<1x16xf32> to vector<16xf32>
        %broadcast_in_dim3A = arith.constant 0 : i32
        %broadcast_in_dim3A_60 = vector.broadcast %broadcast_in_dim3A : i32 to vector<16xi32>
        %broadcast_in_dim3A_61 = arith.constant -1.000000e+00 : f32
        %broadcast_in_dim3A_62 = vector.broadcast %broadcast_in_dim3A_61 : f32 to vector<16xf32>
        %broadcast_in_dim3A_63 = arith.constant 0 : i32
        %broadcast_in_dim3A_64 = vector.broadcast %broadcast_in_dim3A_63 : i32 to vector<16xi32>
        %get3A_65 = arith.constant 1 : i32
        %get3A_66 = arith.index_cast %get3A_65 : i32 to index
        %get3A_67 = arith.index_cast %mul3A_55 : i32 to index
        %get3A_68 = tpu.vector_load %arg5[%get3A_66, %get3A_67] {strides = array<i32>} : memref<64x512xf32, #tpu.memory_space<vmem>>, vector<1x16xf32>,
        %get3A_69 = vector.shape_cast %get3A_68 : vector<1x16xf32> to vector<16xf32>
        %broadcast_in_dim3A_70 = arith.constant 1 : i32
        %broadcast_in_dim3A_71 = vector.broadcast %broadcast_in_dim3A_70 : i32 to vector<16xi32>
        %gt3A = arith.cmpf ogt, %get3A_69, %get3A_59 : vector<16xf32>
        %gt3A_72 = arith.cmpf ogt, %get3A_69, %broadcast_in_dim3A_62 : vector<16xf32>
        %select_n3A_73 = arith.select %gt3A_72, %get3A_69, %broadcast_in_dim3A_62 : vector<16xi1>, vector<16xf32>
        %select_n3A_74 = arith.select %gt3A_72, %broadcast_in_dim3A_71, %broadcast_in_dim3A_64 : vector<16xi1>, vector<16xi32>
        %select_n3A_75 = arith.select %gt3A, %get3A_59, %select_n3A_73 : vector<16xi1>, vector<16xf32>
        %select_n3A_76 = arith.select %gt3A, %broadcast_in_dim3A_60, %select_n3A_74 : vector<16xi1>, vector<16xi32>
        %select_n3A_77 = arith.select %gt3A, %get3A_69, %get3A_59 : vector<16xi1>, vector<16xf32>
        %select_n3A_78 = arith.select %gt3A, %broadcast_in_dim3A_71, %broadcast_in_dim3A_60 : vector<16xi1>, vector<16xi32>
        %get3A_79 = arith.constant 2 : i32
        %get3A_80 = arith.index_cast %get3A_79 : i32 to index
        %get3A_81 = arith.index_cast %mul3A_55 : i32 to index
        %get3A_82 = tpu.vector_load %arg5[%get3A_80, %get3A_81] {strides = array<i32>} : memref<64x512xf32, #tpu.memory_space<vmem>>, vector<1x16xf32>,
        %get3A_83 = vector.shape_cast %get3A_82 : vector<1x16xf32> to vector<16xf32>
        %broadcast_in_dim3A_84 = arith.constant 2 : i32
        %broadcast_in_dim3A_85 = vector.broadcast %broadcast_in_dim3A_84 : i32 to vector<16xi32>
        %gt3A_86 = arith.cmpf ogt, %get3A_83, %select_n3A_77 : vector<16xf32>
        %gt3A_87 = arith.cmpf ogt, %get3A_83, %select_n3A_75 : vector<16xf32>
        %select_n3A_88 = arith.select %gt3A_87, %get3A_83, %select_n3A_75 : vector<16xi1>, vector<16xf32>
        %select_n3A_89 = arith.select %gt3A_87, %broadcast_in_dim3A_85, %select_n3A_76 : vector<16xi1>, vector<16xi32>
        %select_n3A_90 = arith.select %gt3A_86, %select_n3A_77, %select_n3A_88 : vector<16xi1>, vector<16xf32>
        %select_n3A_91 = arith.select %gt3A_86, %select_n3A_78, %select_n3A_89 : vector<16xi1>, vector<16xi32>
        %select_n3A_92 = arith.select %gt3A_86, %get3A_83, %select_n3A_77 : vector<16xi1>, vector<16xf32>
        %select_n3A_93 = arith.select %gt3A_86, %broadcast_in_dim3A_85, %select_n3A_78 : vector<16xi1>, vector<16xi32>
        %get3A_94 = arith.constant 3 : i32
        %get3A_95 = arith.index_cast %get3A_94 : i32 to index
        %get3A_96 = arith.index_cast %mul3A_55 : i32 to index
        %get3A_97 = tpu.vector_load %arg5[%get3A_95, %get3A_96] {strides = array<i32>} : memref<64x512xf32, #tpu.memory_space<vmem>>, vector<1x16xf32>,
        %get3A_98 = vector.shape_cast %get3A_97 : vector<1x16xf32> to vector<16xf32>
        %broadcast_in_dim3A_99 = arith.constant 3 : i32
        %broadcast_in_dim3A_100 = vector.broadcast %broadcast_in_dim3A_99 : i32 to vector<16xi32>
        %gt3A_101 = arith.cmpf ogt, %get3A_98, %select_n3A_92 : vector<16xf32>
        %gt3A_102 = arith.cmpf ogt, %get3A_98, %select_n3A_90 : vector<16xf32>
        %select_n3A_103 = arith.select %gt3A_102, %get3A_98, %select_n3A_90 : vector<16xi1>, vector<16xf32>
        %select_n3A_104 = arith.select %gt3A_102, %broadcast_in_dim3A_100, %select_n3A_91 : vector<16xi1>, vector<16xi32>
        %select_n3A_105 = arith.select %gt3A_101, %select_n3A_92, %select_n3A_103 : vector<16xi1>, vector<16xf32>
        %select_n3A_106 = arith.select %gt3A_101, %select_n3A_93, %select_n3A_104 : vector<16xi1>, vector<16xi32>
        %select_n3A_107 = arith.select %gt3A_101, %get3A_98, %select_n3A_92 : vector<16xi1>, vector<16xf32>
        %select_n3A_108 = arith.select %gt3A_101, %broadcast_in_dim3A_100, %select_n3A_93 : vector<16xi1>, vector<16xi32>
        %get3A_109 = arith.constant 4 : i32
        %get3A_110 = arith.index_cast %get3A_109 : i32 to index
        %get3A_111 = arith.index_cast %mul3A_55 : i32 to index
        %get3A_112 = tpu.vector_load %arg5[%get3A_110, %get3A_111] {strides = array<i32>} : memref<64x512xf32, #tpu.memory_space<vmem>>, vector<1x16xf32>,
        %get3A_113 = vector.shape_cast %get3A_112 : vector<1x16xf32> to vector<16xf32>
        %broadcast_in_dim3A_114 = arith.constant 4 : i32
        %broadcast_in_dim3A_115 = vector.broadcast %broadcast_in_dim3A_114 : i32 to vector<16xi32>
        %gt3A_116 = arith.cmpf ogt, %get3A_113, %select_n3A_107 : vector<16xf32>
        %gt3A_117 = arith.cmpf ogt, %get3A_113, %select_n3A_105 : vector<16xf32>
        %select_n3A_118 = arith.select %gt3A_117, %get3A_113, %select_n3A_105 : vector<16xi1>, vector<16xf32>
        %select_n3A_119 = arith.select %gt3A_117, %broadcast_in_dim3A_115, %select_n3A_106 : vector<16xi1>, vector<16xi32>
        %select_n3A_120 = arith.select %gt3A_116, %select_n3A_107, %select_n3A_118 : vector<16xi1>, vector<16xf32>
        %select_n3A_121 = arith.select %gt3A_116, %select_n3A_108, %select_n3A_119 : vector<16xi1>, vector<16xi32>
        %select_n3A_122 = arith.select %gt3A_116, %get3A_113, %select_n3A_107 : vector<16xi1>, vector<16xf32>
        %select_n3A_123 = arith.select %gt3A_116, %broadcast_in_dim3A_115, %select_n3A_108 : vector<16xi1>, vector<16xi32>
        %get3A_124 = arith.constant 5 : i32
        %get3A_125 = arith.index_cast %get3A_124 : i32 to index
        %get3A_126 = arith.index_cast %mul3A_55 : i32 to index
        %get3A_127 = tpu.vector_load %arg5[%get3A_125, %get3A_126] {strides = array<i32>} : memref<64x512xf32, #tpu.memory_space<vmem>>, vector<1x16xf32>,
        %get3A_128 = vector.shape_cast %get3A_127 : vector<1x16xf32> to vector<16xf32>
        %broadcast_in_dim3A_129 = arith.constant 5 : i32
        %broadcast_in_dim3A_130 = vector.broadcast %broadcast_in_dim3A_129 : i32 to vector<16xi32>
        %gt3A_131 = arith.cmpf ogt, %get3A_128, %select_n3A_122 : vector<16xf32>
        %gt3A_132 = arith.cmpf ogt, %get3A_128, %select_n3A_120 : vector<16xf32>
        %select_n3A_133 = arith.select %gt3A_132, %get3A_128, %select_n3A_120 : vector<16xi1>, vector<16xf32>
        %select_n3A_134 = arith.select %gt3A_132, %broadcast_in_dim3A_130, %select_n3A_121 : vector<16xi1>, vector<16xi32>
        %select_n3A_135 = arith.select %gt3A_131, %select_n3A_122, %select_n3A_133 : vector<16xi1>, vector<16xf32>
        %select_n3A_136 = arith.select %gt3A_131, %select_n3A_123, %select_n3A_134 : vector<16xi1>, vector<16xi32>
        %select_n3A_137 = arith.select %gt3A_131, %get3A_128, %select_n3A_122 : vector<16xi1>, vector<16xf32>
        %select_n3A_138 = arith.select %gt3A_131, %broadcast_in_dim3A_130, %select_n3A_123 : vector<16xi1>, vector<16xi32>
        %get3A_139 = arith.constant 6 : i32
        %get3A_140 = arith.index_cast %get3A_139 : i32 to index
        %get3A_141 = arith.index_cast %mul3A_55 : i32 to index
        %get3A_142 = tpu.vector_load %arg5[%get3A_140, %get3A_141] {strides = array<i32>} : memref<64x512xf32, #tpu.memory_space<vmem>>, vector<1x16xf32>,
        %get3A_143 = vector.shape_cast %get3A_142 : vector<1x16xf32> to vector<16xf32>
        %broadcast_in_dim3A_144 = arith.constant 6 : i32
        %broadcast_in_dim3A_145 = vector.broadcast %broadcast_in_dim3A_144 : i32 to vector<16xi32>
        %gt3A_146 = arith.cmpf ogt, %get3A_143, %select_n3A_137 : vector<16xf32>
        %gt3A_147 = arith.cmpf ogt, %get3A_143, %select_n3A_135 : vector<16xf32>
        %select_n3A_148 = arith.select %gt3A_147, %get3A_143, %select_n3A_135 : vector<16xi1>, vector<16xf32>
        %select_n3A_149 = arith.select %gt3A_147, %broadcast_in_dim3A_145, %select_n3A_136 : vector<16xi1>, vector<16xi32>
        %select_n3A_150 = arith.select %gt3A_146, %select_n3A_137, %select_n3A_148 : vector<16xi1>, vector<16xf32>
        %select_n3A_151 = arith.select %gt3A_146, %select_n3A_138, %select_n3A_149 : vector<16xi1>, vector<16xi32>
        %select_n3A_152 = arith.select %gt3A_146, %get3A_143, %select_n3A_137 : vector<16xi1>, vector<16xf32>
        %select_n3A_153 = arith.select %gt3A_146, %broadcast_in_dim3A_145, %select_n3A_138 : vector<16xi1>, vector<16xi32>
        %get3A_154 = arith.constant 7 : i32
        %get3A_155 = arith.index_cast %get3A_154 : i32 to index
        %get3A_156 = arith.index_cast %mul3A_55 : i32 to index
        %get3A_157 = tpu.vector_load %arg5[%get3A_155, %get3A_156] {strides = array<i32>} : memref<64x512xf32, #tpu.memory_space<vmem>>, vector<1x16xf32>,
        %get3A_158 = vector.shape_cast %get3A_157 : vector<1x16xf32> to vector<16xf32>
        %broadcast_in_dim3A_159 = arith.constant 7 : i32
        %broadcast_in_dim3A_160 = vector.broadcast %broadcast_in_dim3A_159 : i32 to vector<16xi32>
        %gt3A_161 = arith.cmpf ogt, %get3A_158, %select_n3A_152 : vector<16xf32>
        %gt3A_162 = arith.cmpf ogt, %get3A_158, %select_n3A_150 : vector<16xf32>
        %select_n3A_163 = arith.select %gt3A_162, %get3A_158, %select_n3A_150 : vector<16xi1>, vector<16xf32>
        %select_n3A_164 = arith.select %gt3A_162, %broadcast_in_dim3A_160, %select_n3A_151 : vector<16xi1>, vector<16xi32>
        %select_n3A_165 = arith.select %gt3A_161, %select_n3A_152, %select_n3A_163 : vector<16xi1>, vector<16xf32>
        %select_n3A_166 = arith.select %gt3A_161, %select_n3A_153, %select_n3A_164 : vector<16xi1>, vector<16xi32>
        %select_n3A_167 = arith.select %gt3A_161, %get3A_158, %select_n3A_152 : vector<16xi1>, vector<16xf32>
        %select_n3A_168 = arith.select %gt3A_161, %broadcast_in_dim3A_160, %select_n3A_153 : vector<16xi1>, vector<16xi32>
        %get3A_169 = arith.constant 8 : i32
        %get3A_170 = arith.index_cast %get3A_169 : i32 to index
        %get3A_171 = arith.index_cast %mul3A_55 : i32 to index
        %get3A_172 = tpu.vector_load %arg5[%get3A_170, %get3A_171] {strides = array<i32>} : memref<64x512xf32, #tpu.memory_space<vmem>>, vector<1x16xf32>,
        %get3A_173 = vector.shape_cast %get3A_172 : vector<1x16xf32> to vector<16xf32>
        %broadcast_in_dim3A_174 = arith.constant 8 : i32
        %broadcast_in_dim3A_175 = vector.broadcast %broadcast_in_dim3A_174 : i32 to vector<16xi32>
        %gt3A_176 = arith.cmpf ogt, %get3A_173, %select_n3A_167 : vector<16xf32>
        %gt3A_177 = arith.cmpf ogt, %get3A_173, %select_n3A_165 : vector<16xf32>
        %select_n3A_178 = arith.select %gt3A_177, %get3A_173, %select_n3A_165 : vector<16xi1>, vector<16xf32>
        %select_n3A_179 = arith.select %gt3A_177, %broadcast_in_dim3A_175, %select_n3A_166 : vector<16xi1>, vector<16xi32>
        %select_n3A_180 = arith.select %gt3A_176, %select_n3A_167, %select_n3A_178 : vector<16xi1>, vector<16xf32>
        %select_n3A_181 = arith.select %gt3A_176, %select_n3A_168, %select_n3A_179 : vector<16xi1>, vector<16xi32>
        %select_n3A_182 = arith.select %gt3A_176, %get3A_173, %select_n3A_167 : vector<16xi1>, vector<16xf32>
        %select_n3A_183 = arith.select %gt3A_176, %broadcast_in_dim3A_175, %select_n3A_168 : vector<16xi1>, vector<16xi32>
        %get3A_184 = arith.constant 9 : i32
        %get3A_185 = arith.index_cast %get3A_184 : i32 to index
        %get3A_186 = arith.index_cast %mul3A_55 : i32 to index
        %get3A_187 = tpu.vector_load %arg5[%get3A_185, %get3A_186] {strides = array<i32>} : memref<64x512xf32, #tpu.memory_space<vmem>>, vector<1x16xf32>,
        %get3A_188 = vector.shape_cast %get3A_187 : vector<1x16xf32> to vector<16xf32>
        %broadcast_in_dim3A_189 = arith.constant 9 : i32
        %broadcast_in_dim3A_190 = vector.broadcast %broadcast_in_dim3A_189 : i32 to vector<16xi32>
        %gt3A_191 = arith.cmpf ogt, %get3A_188, %select_n3A_182 : vector<16xf32>
        %gt3A_192 = arith.cmpf ogt, %get3A_188, %select_n3A_180 : vector<16xf32>
        %select_n3A_193 = arith.select %gt3A_192, %get3A_188, %select_n3A_180 : vector<16xi1>, vector<16xf32>
        %select_n3A_194 = arith.select %gt3A_192, %broadcast_in_dim3A_190, %select_n3A_181 : vector<16xi1>, vector<16xi32>
        %select_n3A_195 = arith.select %gt3A_191, %select_n3A_182, %select_n3A_193 : vector<16xi1>, vector<16xf32>
        %select_n3A_196 = arith.select %gt3A_191, %select_n3A_183, %select_n3A_194 : vector<16xi1>, vector<16xi32>
        %select_n3A_197 = arith.select %gt3A_191, %get3A_188, %select_n3A_182 : vector<16xi1>, vector<16xf32>
        %select_n3A_198 = arith.select %gt3A_191, %broadcast_in_dim3A_190, %select_n3A_183 : vector<16xi1>, vector<16xi32>
        %get3A_199 = arith.constant 10 : i32
        %get3A_200 = arith.index_cast %get3A_199 : i32 to index
        %get3A_201 = arith.index_cast %mul3A_55 : i32 to index
        %get3A_202 = tpu.vector_load %arg5[%get3A_200, %get3A_201] {strides = array<i32>} : memref<64x512xf32, #tpu.memory_space<vmem>>, vector<1x16xf32>,
        %get3A_203 = vector.shape_cast %get3A_202 : vector<1x16xf32> to vector<16xf32>
        %broadcast_in_dim3A_204 = arith.constant 10 : i32
        %broadcast_in_dim3A_205 = vector.broadcast %broadcast_in_dim3A_204 : i32 to vector<16xi32>
        %gt3A_206 = arith.cmpf ogt, %get3A_203, %select_n3A_197 : vector<16xf32>
        %gt3A_207 = arith.cmpf ogt, %get3A_203, %select_n3A_195 : vector<16xf32>
        %select_n3A_208 = arith.select %gt3A_207, %get3A_203, %select_n3A_195 : vector<16xi1>, vector<16xf32>
        %select_n3A_209 = arith.select %gt3A_207, %broadcast_in_dim3A_205, %select_n3A_196 : vector<16xi1>, vector<16xi32>
        %select_n3A_210 = arith.select %gt3A_206, %select_n3A_197, %select_n3A_208 : vector<16xi1>, vector<16xf32>
        %select_n3A_211 = arith.select %gt3A_206, %select_n3A_198, %select_n3A_209 : vector<16xi1>, vector<16xi32>
        %select_n3A_212 = arith.select %gt3A_206, %get3A_203, %select_n3A_197 : vector<16xi1>, vector<16xf32>
        %select_n3A_213 = arith.select %gt3A_206, %broadcast_in_dim3A_205, %select_n3A_198 : vector<16xi1>, vector<16xi32>
        %get3A_214 = arith.constant 11 : i32
        %get3A_215 = arith.index_cast %get3A_214 : i32 to index
        %get3A_216 = arith.index_cast %mul3A_55 : i32 to index
        %get3A_217 = tpu.vector_load %arg5[%get3A_215, %get3A_216] {strides = array<i32>} : memref<64x512xf32, #tpu.memory_space<vmem>>, vector<1x16xf32>,
        %get3A_218 = vector.shape_cast %get3A_217 : vector<1x16xf32> to vector<16xf32>
        %broadcast_in_dim3A_219 = arith.constant 11 : i32
        %broadcast_in_dim3A_220 = vector.broadcast %broadcast_in_dim3A_219 : i32 to vector<16xi32>
        %gt3A_221 = arith.cmpf ogt, %get3A_218, %select_n3A_212 : vector<16xf32>
        %gt3A_222 = arith.cmpf ogt, %get3A_218, %select_n3A_210 : vector<16xf32>
        %select_n3A_223 = arith.select %gt3A_222, %get3A_218, %select_n3A_210 : vector<16xi1>, vector<16xf32>
        %select_n3A_224 = arith.select %gt3A_222, %broadcast_in_dim3A_220, %select_n3A_211 : vector<16xi1>, vector<16xi32>
        %select_n3A_225 = arith.select %gt3A_221, %select_n3A_212, %select_n3A_223 : vector<16xi1>, vector<16xf32>
        %select_n3A_226 = arith.select %gt3A_221, %select_n3A_213, %select_n3A_224 : vector<16xi1>, vector<16xi32>
        %select_n3A_227 = arith.select %gt3A_221, %get3A_218, %select_n3A_212 : vector<16xi1>, vector<16xf32>
        %select_n3A_228 = arith.select %gt3A_221, %broadcast_in_dim3A_220, %select_n3A_213 : vector<16xi1>, vector<16xi32>
        %get3A_229 = arith.constant 12 : i32
        %get3A_230 = arith.index_cast %get3A_229 : i32 to index
        %get3A_231 = arith.index_cast %mul3A_55 : i32 to index
        %get3A_232 = tpu.vector_load %arg5[%get3A_230, %get3A_231] {strides = array<i32>} : memref<64x512xf32, #tpu.memory_space<vmem>>, vector<1x16xf32>,
        %get3A_233 = vector.shape_cast %get3A_232 : vector<1x16xf32> to vector<16xf32>
        %broadcast_in_dim3A_234 = arith.constant 12 : i32
        %broadcast_in_dim3A_235 = vector.broadcast %broadcast_in_dim3A_234 : i32 to vector<16xi32>
        %gt3A_236 = arith.cmpf ogt, %get3A_233, %select_n3A_227 : vector<16xf32>
        %gt3A_237 = arith.cmpf ogt, %get3A_233, %select_n3A_225 : vector<16xf32>
        %select_n3A_238 = arith.select %gt3A_237, %get3A_233, %select_n3A_225 : vector<16xi1>, vector<16xf32>
        %select_n3A_239 = arith.select %gt3A_237, %broadcast_in_dim3A_235, %select_n3A_226 : vector<16xi1>, vector<16xi32>
        %select_n3A_240 = arith.select %gt3A_236, %select_n3A_227, %select_n3A_238 : vector<16xi1>, vector<16xf32>
        %select_n3A_241 = arith.select %gt3A_236, %select_n3A_228, %select_n3A_239 : vector<16xi1>, vector<16xi32>
        %select_n3A_242 = arith.select %gt3A_236, %get3A_233, %select_n3A_227 : vector<16xi1>, vector<16xf32>
        %select_n3A_243 = arith.select %gt3A_236, %broadcast_in_dim3A_235, %select_n3A_228 : vector<16xi1>, vector<16xi32>
        %get3A_244 = arith.constant 13 : i32
        %get3A_245 = arith.index_cast %get3A_244 : i32 to index
        %get3A_246 = arith.index_cast %mul3A_55 : i32 to index
        %get3A_247 = tpu.vector_load %arg5[%get3A_245, %get3A_246] {strides = array<i32>} : memref<64x512xf32, #tpu.memory_space<vmem>>, vector<1x16xf32>,
        %get3A_248 = vector.shape_cast %get3A_247 : vector<1x16xf32> to vector<16xf32>
        %broadcast_in_dim3A_249 = arith.constant 13 : i32
        %broadcast_in_dim3A_250 = vector.broadcast %broadcast_in_dim3A_249 : i32 to vector<16xi32>
        %gt3A_251 = arith.cmpf ogt, %get3A_248, %select_n3A_242 : vector<16xf32>
        %gt3A_252 = arith.cmpf ogt, %get3A_248, %select_n3A_240 : vector<16xf32>
        %select_n3A_253 = arith.select %gt3A_252, %get3A_248, %select_n3A_240 : vector<16xi1>, vector<16xf32>
        %select_n3A_254 = arith.select %gt3A_252, %broadcast_in_dim3A_250, %select_n3A_241 : vector<16xi1>, vector<16xi32>
        %select_n3A_255 = arith.select %gt3A_251, %select_n3A_242, %select_n3A_253 : vector<16xi1>, vector<16xf32>
        %select_n3A_256 = arith.select %gt3A_251, %select_n3A_243, %select_n3A_254 : vector<16xi1>, vector<16xi32>
        %select_n3A_257 = arith.select %gt3A_251, %get3A_248, %select_n3A_242 : vector<16xi1>, vector<16xf32>
        %select_n3A_258 = arith.select %gt3A_251, %broadcast_in_dim3A_250, %select_n3A_243 : vector<16xi1>, vector<16xi32>
        %get3A_259 = arith.constant 14 : i32
        %get3A_260 = arith.index_cast %get3A_259 : i32 to index
        %get3A_261 = arith.index_cast %mul3A_55 : i32 to index
        %get3A_262 = tpu.vector_load %arg5[%get3A_260, %get3A_261] {strides = array<i32>} : memref<64x512xf32, #tpu.memory_space<vmem>>, vector<1x16xf32>,
        %get3A_263 = vector.shape_cast %get3A_262 : vector<1x16xf32> to vector<16xf32>
        %broadcast_in_dim3A_264 = arith.constant 14 : i32
        %broadcast_in_dim3A_265 = vector.broadcast %broadcast_in_dim3A_264 : i32 to vector<16xi32>
        %gt3A_266 = arith.cmpf ogt, %get3A_263, %select_n3A_257 : vector<16xf32>
        %gt3A_267 = arith.cmpf ogt, %get3A_263, %select_n3A_255 : vector<16xf32>
        %select_n3A_268 = arith.select %gt3A_267, %get3A_263, %select_n3A_255 : vector<16xi1>, vector<16xf32>
        %select_n3A_269 = arith.select %gt3A_267, %broadcast_in_dim3A_265, %select_n3A_256 : vector<16xi1>, vector<16xi32>
        %select_n3A_270 = arith.select %gt3A_266, %select_n3A_257, %select_n3A_268 : vector<16xi1>, vector<16xf32>
        %select_n3A_271 = arith.select %gt3A_266, %select_n3A_258, %select_n3A_269 : vector<16xi1>, vector<16xi32>
        %select_n3A_272 = arith.select %gt3A_266, %get3A_263, %select_n3A_257 : vector<16xi1>, vector<16xf32>
        %select_n3A_273 = arith.select %gt3A_266, %broadcast_in_dim3A_265, %select_n3A_258 : vector<16xi1>, vector<16xi32>
        %get3A_274 = arith.constant 15 : i32
        %get3A_275 = arith.index_cast %get3A_274 : i32 to index
        %get3A_276 = arith.index_cast %mul3A_55 : i32 to index
        %get3A_277 = tpu.vector_load %arg5[%get3A_275, %get3A_276] {strides = array<i32>} : memref<64x512xf32, #tpu.memory_space<vmem>>, vector<1x16xf32>,
        %get3A_278 = vector.shape_cast %get3A_277 : vector<1x16xf32> to vector<16xf32>
        %broadcast_in_dim3A_279 = arith.constant 15 : i32
        %broadcast_in_dim3A_280 = vector.broadcast %broadcast_in_dim3A_279 : i32 to vector<16xi32>
        %gt3A_281 = arith.cmpf ogt, %get3A_278, %select_n3A_272 : vector<16xf32>
        %gt3A_282 = arith.cmpf ogt, %get3A_278, %select_n3A_270 : vector<16xf32>
        %select_n3A_283 = arith.select %gt3A_282, %get3A_278, %select_n3A_270 : vector<16xi1>, vector<16xf32>
        %select_n3A_284 = arith.select %gt3A_282, %broadcast_in_dim3A_280, %select_n3A_271 : vector<16xi1>, vector<16xi32>
        %select_n3A_285 = arith.select %gt3A_281, %select_n3A_272, %select_n3A_283 : vector<16xi1>, vector<16xf32>
        %select_n3A_286 = arith.select %gt3A_281, %select_n3A_273, %select_n3A_284 : vector<16xi1>, vector<16xi32>
        %select_n3A_287 = arith.select %gt3A_281, %get3A_278, %select_n3A_272 : vector<16xi1>, vector<16xf32>
        %select_n3A_288 = arith.select %gt3A_281, %broadcast_in_dim3A_280, %select_n3A_273 : vector<16xi1>, vector<16xi32>
        %get3A_289 = arith.constant 16 : i32
        %get3A_290 = arith.index_cast %get3A_289 : i32 to index
        %get3A_291 = arith.index_cast %mul3A_55 : i32 to index
        %get3A_292 = tpu.vector_load %arg5[%get3A_290, %get3A_291] {strides = array<i32>} : memref<64x512xf32, #tpu.memory_space<vmem>>, vector<1x16xf32>,
        %get3A_293 = vector.shape_cast %get3A_292 : vector<1x16xf32> to vector<16xf32>
        %broadcast_in_dim3A_294 = arith.constant 16 : i32
        %broadcast_in_dim3A_295 = vector.broadcast %broadcast_in_dim3A_294 : i32 to vector<16xi32>
        %gt3A_296 = arith.cmpf ogt, %get3A_293, %select_n3A_287 : vector<16xf32>
        %gt3A_297 = arith.cmpf ogt, %get3A_293, %select_n3A_285 : vector<16xf32>
        %select_n3A_298 = arith.select %gt3A_297, %get3A_293, %select_n3A_285 : vector<16xi1>, vector<16xf32>
        %select_n3A_299 = arith.select %gt3A_297, %broadcast_in_dim3A_295, %select_n3A_286 : vector<16xi1>, vector<16xi32>
        %select_n3A_300 = arith.select %gt3A_296, %select_n3A_287, %select_n3A_298 : vector<16xi1>, vector<16xf32>
        %select_n3A_301 = arith.select %gt3A_296, %select_n3A_288, %select_n3A_299 : vector<16xi1>, vector<16xi32>
        %select_n3A_302 = arith.select %gt3A_296, %get3A_293, %select_n3A_287 : vector<16xi1>, vector<16xf32>
        %select_n3A_303 = arith.select %gt3A_296, %broadcast_in_dim3A_295, %select_n3A_288 : vector<16xi1>, vector<16xi32>
        %get3A_304 = arith.constant 17 : i32
        %get3A_305 = arith.index_cast %get3A_304 : i32 to index
        %get3A_306 = arith.index_cast %mul3A_55 : i32 to index
        %get3A_307 = tpu.vector_load %arg5[%get3A_305, %get3A_306] {strides = array<i32>} : memref<64x512xf32, #tpu.memory_space<vmem>>, vector<1x16xf32>,
        %get3A_308 = vector.shape_cast %get3A_307 : vector<1x16xf32> to vector<16xf32>
        %broadcast_in_dim3A_309 = arith.constant 17 : i32
        %broadcast_in_dim3A_310 = vector.broadcast %broadcast_in_dim3A_309 : i32 to vector<16xi32>
        %gt3A_311 = arith.cmpf ogt, %get3A_308, %select_n3A_302 : vector<16xf32>
        %gt3A_312 = arith.cmpf ogt, %get3A_308, %select_n3A_300 : vector<16xf32>
        %select_n3A_313 = arith.select %gt3A_312, %get3A_308, %select_n3A_300 : vector<16xi1>, vector<16xf32>
        %select_n3A_314 = arith.select %gt3A_312, %broadcast_in_dim3A_310, %select_n3A_301 : vector<16xi1>, vector<16xi32>
        %select_n3A_315 = arith.select %gt3A_311, %select_n3A_302, %select_n3A_313 : vector<16xi1>, vector<16xf32>
        %select_n3A_316 = arith.select %gt3A_311, %select_n3A_303, %select_n3A_314 : vector<16xi1>, vector<16xi32>
        %select_n3A_317 = arith.select %gt3A_311, %get3A_308, %select_n3A_302 : vector<16xi1>, vector<16xf32>
        %select_n3A_318 = arith.select %gt3A_311, %broadcast_in_dim3A_310, %select_n3A_303 : vector<16xi1>, vector<16xi32>
        %get3A_319 = arith.constant 18 : i32
        %get3A_320 = arith.index_cast %get3A_319 : i32 to index
        %get3A_321 = arith.index_cast %mul3A_55 : i32 to index
        %get3A_322 = tpu.vector_load %arg5[%get3A_320, %get3A_321] {strides = array<i32>} : memref<64x512xf32, #tpu.memory_space<vmem>>, vector<1x16xf32>,
        %get3A_323 = vector.shape_cast %get3A_322 : vector<1x16xf32> to vector<16xf32>
        %broadcast_in_dim3A_324 = arith.constant 18 : i32
        %broadcast_in_dim3A_325 = vector.broadcast %broadcast_in_dim3A_324 : i32 to vector<16xi32>
        %gt3A_326 = arith.cmpf ogt, %get3A_323, %select_n3A_317 : vector<16xf32>
        %gt3A_327 = arith.cmpf ogt, %get3A_323, %select_n3A_315 : vector<16xf32>
        %select_n3A_328 = arith.select %gt3A_327, %get3A_323, %select_n3A_315 : vector<16xi1>, vector<16xf32>
        %select_n3A_329 = arith.select %gt3A_327, %broadcast_in_dim3A_325, %select_n3A_316 : vector<16xi1>, vector<16xi32>
        %select_n3A_330 = arith.select %gt3A_326, %select_n3A_317, %select_n3A_328 : vector<16xi1>, vector<16xf32>
        %select_n3A_331 = arith.select %gt3A_326, %select_n3A_318, %select_n3A_329 : vector<16xi1>, vector<16xi32>
        %select_n3A_332 = arith.select %gt3A_326, %get3A_323, %select_n3A_317 : vector<16xi1>, vector<16xf32>
        %select_n3A_333 = arith.select %gt3A_326, %broadcast_in_dim3A_325, %select_n3A_318 : vector<16xi1>, vector<16xi32>
        %get3A_334 = arith.constant 19 : i32
        %get3A_335 = arith.index_cast %get3A_334 : i32 to index
        %get3A_336 = arith.index_cast %mul3A_55 : i32 to index
        %get3A_337 = tpu.vector_load %arg5[%get3A_335, %get3A_336] {strides = array<i32>} : memref<64x512xf32, #tpu.memory_space<vmem>>, vector<1x16xf32>,
        %get3A_338 = vector.shape_cast %get3A_337 : vector<1x16xf32> to vector<16xf32>
        %broadcast_in_dim3A_339 = arith.constant 19 : i32
        %broadcast_in_dim3A_340 = vector.broadcast %broadcast_in_dim3A_339 : i32 to vector<16xi32>
        %gt3A_341 = arith.cmpf ogt, %get3A_338, %select_n3A_332 : vector<16xf32>
        %gt3A_342 = arith.cmpf ogt, %get3A_338, %select_n3A_330 : vector<16xf32>
        %select_n3A_343 = arith.select %gt3A_342, %get3A_338, %select_n3A_330 : vector<16xi1>, vector<16xf32>
        %select_n3A_344 = arith.select %gt3A_342, %broadcast_in_dim3A_340, %select_n3A_331 : vector<16xi1>, vector<16xi32>
        %select_n3A_345 = arith.select %gt3A_341, %select_n3A_332, %select_n3A_343 : vector<16xi1>, vector<16xf32>
        %select_n3A_346 = arith.select %gt3A_341, %select_n3A_333, %select_n3A_344 : vector<16xi1>, vector<16xi32>
        %select_n3A_347 = arith.select %gt3A_341, %get3A_338, %select_n3A_332 : vector<16xi1>, vector<16xf32>
        %select_n3A_348 = arith.select %gt3A_341, %broadcast_in_dim3A_340, %select_n3A_333 : vector<16xi1>, vector<16xi32>
        %get3A_349 = arith.constant 20 : i32
        %get3A_350 = arith.index_cast %get3A_349 : i32 to index
        %get3A_351 = arith.index_cast %mul3A_55 : i32 to index
        %get3A_352 = tpu.vector_load %arg5[%get3A_350, %get3A_351] {strides = array<i32>} : memref<64x512xf32, #tpu.memory_space<vmem>>, vector<1x16xf32>,
        %get3A_353 = vector.shape_cast %get3A_352 : vector<1x16xf32> to vector<16xf32>
        %broadcast_in_dim3A_354 = arith.constant 20 : i32
        %broadcast_in_dim3A_355 = vector.broadcast %broadcast_in_dim3A_354 : i32 to vector<16xi32>
        %gt3A_356 = arith.cmpf ogt, %get3A_353, %select_n3A_347 : vector<16xf32>
        %gt3A_357 = arith.cmpf ogt, %get3A_353, %select_n3A_345 : vector<16xf32>
        %select_n3A_358 = arith.select %gt3A_357, %get3A_353, %select_n3A_345 : vector<16xi1>, vector<16xf32>
        %select_n3A_359 = arith.select %gt3A_357, %broadcast_in_dim3A_355, %select_n3A_346 : vector<16xi1>, vector<16xi32>
        %select_n3A_360 = arith.select %gt3A_356, %select_n3A_347, %select_n3A_358 : vector<16xi1>, vector<16xf32>
        %select_n3A_361 = arith.select %gt3A_356, %select_n3A_348, %select_n3A_359 : vector<16xi1>, vector<16xi32>
        %select_n3A_362 = arith.select %gt3A_356, %get3A_353, %select_n3A_347 : vector<16xi1>, vector<16xf32>
        %select_n3A_363 = arith.select %gt3A_356, %broadcast_in_dim3A_355, %select_n3A_348 : vector<16xi1>, vector<16xi32>
        %get3A_364 = arith.constant 21 : i32
        %get3A_365 = arith.index_cast %get3A_364 : i32 to index
        %get3A_366 = arith.index_cast %mul3A_55 : i32 to index
        %get3A_367 = tpu.vector_load %arg5[%get3A_365, %get3A_366] {strides = array<i32>} : memref<64x512xf32, #tpu.memory_space<vmem>>, vector<1x16xf32>,
        %get3A_368 = vector.shape_cast %get3A_367 : vector<1x16xf32> to vector<16xf32>
        %broadcast_in_dim3A_369 = arith.constant 21 : i32
        %broadcast_in_dim3A_370 = vector.broadcast %broadcast_in_dim3A_369 : i32 to vector<16xi32>
        %gt3A_371 = arith.cmpf ogt, %get3A_368, %select_n3A_362 : vector<16xf32>
        %gt3A_372 = arith.cmpf ogt, %get3A_368, %select_n3A_360 : vector<16xf32>
        %select_n3A_373 = arith.select %gt3A_372, %get3A_368, %select_n3A_360 : vector<16xi1>, vector<16xf32>
        %select_n3A_374 = arith.select %gt3A_372, %broadcast_in_dim3A_370, %select_n3A_361 : vector<16xi1>, vector<16xi32>
        %select_n3A_375 = arith.select %gt3A_371, %select_n3A_362, %select_n3A_373 : vector<16xi1>, vector<16xf32>
        %select_n3A_376 = arith.select %gt3A_371, %select_n3A_363, %select_n3A_374 : vector<16xi1>, vector<16xi32>
        %select_n3A_377 = arith.select %gt3A_371, %get3A_368, %select_n3A_362 : vector<16xi1>, vector<16xf32>
        %select_n3A_378 = arith.select %gt3A_371, %broadcast_in_dim3A_370, %select_n3A_363 : vector<16xi1>, vector<16xi32>
        %get3A_379 = arith.constant 22 : i32
        %get3A_380 = arith.index_cast %get3A_379 : i32 to index
        %get3A_381 = arith.index_cast %mul3A_55 : i32 to index
        %get3A_382 = tpu.vector_load %arg5[%get3A_380, %get3A_381] {strides = array<i32>} : memref<64x512xf32, #tpu.memory_space<vmem>>, vector<1x16xf32>,
        %get3A_383 = vector.shape_cast %get3A_382 : vector<1x16xf32> to vector<16xf32>
        %broadcast_in_dim3A_384 = arith.constant 22 : i32
        %broadcast_in_dim3A_385 = vector.broadcast %broadcast_in_dim3A_384 : i32 to vector<16xi32>
        %gt3A_386 = arith.cmpf ogt, %get3A_383, %select_n3A_377 : vector<16xf32>
        %gt3A_387 = arith.cmpf ogt, %get3A_383, %select_n3A_375 : vector<16xf32>
        %select_n3A_388 = arith.select %gt3A_387, %get3A_383, %select_n3A_375 : vector<16xi1>, vector<16xf32>
        %select_n3A_389 = arith.select %gt3A_387, %broadcast_in_dim3A_385, %select_n3A_376 : vector<16xi1>, vector<16xi32>
        %select_n3A_390 = arith.select %gt3A_386, %select_n3A_377, %select_n3A_388 : vector<16xi1>, vector<16xf32>
        %select_n3A_391 = arith.select %gt3A_386, %select_n3A_378, %select_n3A_389 : vector<16xi1>, vector<16xi32>
        %select_n3A_392 = arith.select %gt3A_386, %get3A_383, %select_n3A_377 : vector<16xi1>, vector<16xf32>
        %select_n3A_393 = arith.select %gt3A_386, %broadcast_in_dim3A_385, %select_n3A_378 : vector<16xi1>, vector<16xi32>
        %get3A_394 = arith.constant 23 : i32
        %get3A_395 = arith.index_cast %get3A_394 : i32 to index
        %get3A_396 = arith.index_cast %mul3A_55 : i32 to index
        %get3A_397 = tpu.vector_load %arg5[%get3A_395, %get3A_396] {strides = array<i32>} : memref<64x512xf32, #tpu.memory_space<vmem>>, vector<1x16xf32>,
        %get3A_398 = vector.shape_cast %get3A_397 : vector<1x16xf32> to vector<16xf32>
        %broadcast_in_dim3A_399 = arith.constant 23 : i32
        %broadcast_in_dim3A_400 = vector.broadcast %broadcast_in_dim3A_399 : i32 to vector<16xi32>
        %gt3A_401 = arith.cmpf ogt, %get3A_398, %select_n3A_392 : vector<16xf32>
        %gt3A_402 = arith.cmpf ogt, %get3A_398, %select_n3A_390 : vector<16xf32>
        %select_n3A_403 = arith.select %gt3A_402, %get3A_398, %select_n3A_390 : vector<16xi1>, vector<16xf32>
        %select_n3A_404 = arith.select %gt3A_402, %broadcast_in_dim3A_400, %select_n3A_391 : vector<16xi1>, vector<16xi32>
        %select_n3A_405 = arith.select %gt3A_401, %select_n3A_392, %select_n3A_403 : vector<16xi1>, vector<16xf32>
        %select_n3A_406 = arith.select %gt3A_401, %select_n3A_393, %select_n3A_404 : vector<16xi1>, vector<16xi32>
        %select_n3A_407 = arith.select %gt3A_401, %get3A_398, %select_n3A_392 : vector<16xi1>, vector<16xf32>
        %select_n3A_408 = arith.select %gt3A_401, %broadcast_in_dim3A_400, %select_n3A_393 : vector<16xi1>, vector<16xi32>
        %get3A_409 = arith.constant 24 : i32
        %get3A_410 = arith.index_cast %get3A_409 : i32 to index
        %get3A_411 = arith.index_cast %mul3A_55 : i32 to index
        %get3A_412 = tpu.vector_load %arg5[%get3A_410, %get3A_411] {strides = array<i32>} : memref<64x512xf32, #tpu.memory_space<vmem>>, vector<1x16xf32>,
        %get3A_413 = vector.shape_cast %get3A_412 : vector<1x16xf32> to vector<16xf32>
        %broadcast_in_dim3A_414 = arith.constant 24 : i32
        %broadcast_in_dim3A_415 = vector.broadcast %broadcast_in_dim3A_414 : i32 to vector<16xi32>
        %gt3A_416 = arith.cmpf ogt, %get3A_413, %select_n3A_407 : vector<16xf32>
        %gt3A_417 = arith.cmpf ogt, %get3A_413, %select_n3A_405 : vector<16xf32>
        %select_n3A_418 = arith.select %gt3A_417, %get3A_413, %select_n3A_405 : vector<16xi1>, vector<16xf32>
        %select_n3A_419 = arith.select %gt3A_417, %broadcast_in_dim3A_415, %select_n3A_406 : vector<16xi1>, vector<16xi32>
        %select_n3A_420 = arith.select %gt3A_416, %select_n3A_407, %select_n3A_418 : vector<16xi1>, vector<16xf32>
        %select_n3A_421 = arith.select %gt3A_416, %select_n3A_408, %select_n3A_419 : vector<16xi1>, vector<16xi32>
        %select_n3A_422 = arith.select %gt3A_416, %get3A_413, %select_n3A_407 : vector<16xi1>, vector<16xf32>
        %select_n3A_423 = arith.select %gt3A_416, %broadcast_in_dim3A_415, %select_n3A_408 : vector<16xi1>, vector<16xi32>
        %get3A_424 = arith.constant 25 : i32
        %get3A_425 = arith.index_cast %get3A_424 : i32 to index
        %get3A_426 = arith.index_cast %mul3A_55 : i32 to index
        %get3A_427 = tpu.vector_load %arg5[%get3A_425, %get3A_426] {strides = array<i32>} : memref<64x512xf32, #tpu.memory_space<vmem>>, vector<1x16xf32>,
        %get3A_428 = vector.shape_cast %get3A_427 : vector<1x16xf32> to vector<16xf32>
        %broadcast_in_dim3A_429 = arith.constant 25 : i32
        %broadcast_in_dim3A_430 = vector.broadcast %broadcast_in_dim3A_429 : i32 to vector<16xi32>
        %gt3A_431 = arith.cmpf ogt, %get3A_428, %select_n3A_422 : vector<16xf32>
        %gt3A_432 = arith.cmpf ogt, %get3A_428, %select_n3A_420 : vector<16xf32>
        %select_n3A_433 = arith.select %gt3A_432, %get3A_428, %select_n3A_420 : vector<16xi1>, vector<16xf32>
        %select_n3A_434 = arith.select %gt3A_432, %broadcast_in_dim3A_430, %select_n3A_421 : vector<16xi1>, vector<16xi32>
        %select_n3A_435 = arith.select %gt3A_431, %select_n3A_422, %select_n3A_433 : vector<16xi1>, vector<16xf32>
        %select_n3A_436 = arith.select %gt3A_431, %select_n3A_423, %select_n3A_434 : vector<16xi1>, vector<16xi32>
        %select_n3A_437 = arith.select %gt3A_431, %get3A_428, %select_n3A_422 : vector<16xi1>, vector<16xf32>
        %select_n3A_438 = arith.select %gt3A_431, %broadcast_in_dim3A_430, %select_n3A_423 : vector<16xi1>, vector<16xi32>
        %get3A_439 = arith.constant 26 : i32
        %get3A_440 = arith.index_cast %get3A_439 : i32 to index
        %get3A_441 = arith.index_cast %mul3A_55 : i32 to index
        %get3A_442 = tpu.vector_load %arg5[%get3A_440, %get3A_441] {strides = array<i32>} : memref<64x512xf32, #tpu.memory_space<vmem>>, vector<1x16xf32>,
        %get3A_443 = vector.shape_cast %get3A_442 : vector<1x16xf32> to vector<16xf32>
        %broadcast_in_dim3A_444 = arith.constant 26 : i32
        %broadcast_in_dim3A_445 = vector.broadcast %broadcast_in_dim3A_444 : i32 to vector<16xi32>
        %gt3A_446 = arith.cmpf ogt, %get3A_443, %select_n3A_437 : vector<16xf32>
        %gt3A_447 = arith.cmpf ogt, %get3A_443, %select_n3A_435 : vector<16xf32>
        %select_n3A_448 = arith.select %gt3A_447, %get3A_443, %select_n3A_435 : vector<16xi1>, vector<16xf32>
        %select_n3A_449 = arith.select %gt3A_447, %broadcast_in_dim3A_445, %select_n3A_436 : vector<16xi1>, vector<16xi32>
        %select_n3A_450 = arith.select %gt3A_446, %select_n3A_437, %select_n3A_448 : vector<16xi1>, vector<16xf32>
        %select_n3A_451 = arith.select %gt3A_446, %select_n3A_438, %select_n3A_449 : vector<16xi1>, vector<16xi32>
        %select_n3A_452 = arith.select %gt3A_446, %get3A_443, %select_n3A_437 : vector<16xi1>, vector<16xf32>
        %select_n3A_453 = arith.select %gt3A_446, %broadcast_in_dim3A_445, %select_n3A_438 : vector<16xi1>, vector<16xi32>
        %get3A_454 = arith.constant 27 : i32
        %get3A_455 = arith.index_cast %get3A_454 : i32 to index
        %get3A_456 = arith.index_cast %mul3A_55 : i32 to index
        %get3A_457 = tpu.vector_load %arg5[%get3A_455, %get3A_456] {strides = array<i32>} : memref<64x512xf32, #tpu.memory_space<vmem>>, vector<1x16xf32>,
        %get3A_458 = vector.shape_cast %get3A_457 : vector<1x16xf32> to vector<16xf32>
        %broadcast_in_dim3A_459 = arith.constant 27 : i32
        %broadcast_in_dim3A_460 = vector.broadcast %broadcast_in_dim3A_459 : i32 to vector<16xi32>
        %gt3A_461 = arith.cmpf ogt, %get3A_458, %select_n3A_452 : vector<16xf32>
        %gt3A_462 = arith.cmpf ogt, %get3A_458, %select_n3A_450 : vector<16xf32>
        %select_n3A_463 = arith.select %gt3A_462, %get3A_458, %select_n3A_450 : vector<16xi1>, vector<16xf32>
        %select_n3A_464 = arith.select %gt3A_462, %broadcast_in_dim3A_460, %select_n3A_451 : vector<16xi1>, vector<16xi32>
        %select_n3A_465 = arith.select %gt3A_461, %select_n3A_452, %select_n3A_463 : vector<16xi1>, vector<16xf32>
        %select_n3A_466 = arith.select %gt3A_461, %select_n3A_453, %select_n3A_464 : vector<16xi1>, vector<16xi32>
        %select_n3A_467 = arith.select %gt3A_461, %get3A_458, %select_n3A_452 : vector<16xi1>, vector<16xf32>
        %select_n3A_468 = arith.select %gt3A_461, %broadcast_in_dim3A_460, %select_n3A_453 : vector<16xi1>, vector<16xi32>
        %get3A_469 = arith.constant 28 : i32
        %get3A_470 = arith.index_cast %get3A_469 : i32 to index
        %get3A_471 = arith.index_cast %mul3A_55 : i32 to index
        %get3A_472 = tpu.vector_load %arg5[%get3A_470, %get3A_471] {strides = array<i32>} : memref<64x512xf32, #tpu.memory_space<vmem>>, vector<1x16xf32>,
        %get3A_473 = vector.shape_cast %get3A_472 : vector<1x16xf32> to vector<16xf32>
        %broadcast_in_dim3A_474 = arith.constant 28 : i32
        %broadcast_in_dim3A_475 = vector.broadcast %broadcast_in_dim3A_474 : i32 to vector<16xi32>
        %gt3A_476 = arith.cmpf ogt, %get3A_473, %select_n3A_467 : vector<16xf32>
        %gt3A_477 = arith.cmpf ogt, %get3A_473, %select_n3A_465 : vector<16xf32>
        %select_n3A_478 = arith.select %gt3A_477, %get3A_473, %select_n3A_465 : vector<16xi1>, vector<16xf32>
        %select_n3A_479 = arith.select %gt3A_477, %broadcast_in_dim3A_475, %select_n3A_466 : vector<16xi1>, vector<16xi32>
        %select_n3A_480 = arith.select %gt3A_476, %select_n3A_467, %select_n3A_478 : vector<16xi1>, vector<16xf32>
        %select_n3A_481 = arith.select %gt3A_476, %select_n3A_468, %select_n3A_479 : vector<16xi1>, vector<16xi32>
        %select_n3A_482 = arith.select %gt3A_476, %get3A_473, %select_n3A_467 : vector<16xi1>, vector<16xf32>
        %select_n3A_483 = arith.select %gt3A_476, %broadcast_in_dim3A_475, %select_n3A_468 : vector<16xi1>, vector<16xi32>
        %get3A_484 = arith.constant 29 : i32
        %get3A_485 = arith.index_cast %get3A_484 : i32 to index
        %get3A_486 = arith.index_cast %mul3A_55 : i32 to index
        %get3A_487 = tpu.vector_load %arg5[%get3A_485, %get3A_486] {strides = array<i32>} : memref<64x512xf32, #tpu.memory_space<vmem>>, vector<1x16xf32>,
        %get3A_488 = vector.shape_cast %get3A_487 : vector<1x16xf32> to vector<16xf32>
        %broadcast_in_dim3A_489 = arith.constant 29 : i32
        %broadcast_in_dim3A_490 = vector.broadcast %broadcast_in_dim3A_489 : i32 to vector<16xi32>
        %gt3A_491 = arith.cmpf ogt, %get3A_488, %select_n3A_482 : vector<16xf32>
        %gt3A_492 = arith.cmpf ogt, %get3A_488, %select_n3A_480 : vector<16xf32>
        %select_n3A_493 = arith.select %gt3A_492, %get3A_488, %select_n3A_480 : vector<16xi1>, vector<16xf32>
        %select_n3A_494 = arith.select %gt3A_492, %broadcast_in_dim3A_490, %select_n3A_481 : vector<16xi1>, vector<16xi32>
        %select_n3A_495 = arith.select %gt3A_491, %select_n3A_482, %select_n3A_493 : vector<16xi1>, vector<16xf32>
        %select_n3A_496 = arith.select %gt3A_491, %select_n3A_483, %select_n3A_494 : vector<16xi1>, vector<16xi32>
        %select_n3A_497 = arith.select %gt3A_491, %get3A_488, %select_n3A_482 : vector<16xi1>, vector<16xf32>
        %select_n3A_498 = arith.select %gt3A_491, %broadcast_in_dim3A_490, %select_n3A_483 : vector<16xi1>, vector<16xi32>
        %get3A_499 = arith.constant 30 : i32
        %get3A_500 = arith.index_cast %get3A_499 : i32 to index
        %get3A_501 = arith.index_cast %mul3A_55 : i32 to index
        %get3A_502 = tpu.vector_load %arg5[%get3A_500, %get3A_501] {strides = array<i32>} : memref<64x512xf32, #tpu.memory_space<vmem>>, vector<1x16xf32>,
        %get3A_503 = vector.shape_cast %get3A_502 : vector<1x16xf32> to vector<16xf32>
        %broadcast_in_dim3A_504 = arith.constant 30 : i32
        %broadcast_in_dim3A_505 = vector.broadcast %broadcast_in_dim3A_504 : i32 to vector<16xi32>
        %gt3A_506 = arith.cmpf ogt, %get3A_503, %select_n3A_497 : vector<16xf32>
        %gt3A_507 = arith.cmpf ogt, %get3A_503, %select_n3A_495 : vector<16xf32>
        %select_n3A_508 = arith.select %gt3A_507, %get3A_503, %select_n3A_495 : vector<16xi1>, vector<16xf32>
        %select_n3A_509 = arith.select %gt3A_507, %broadcast_in_dim3A_505, %select_n3A_496 : vector<16xi1>, vector<16xi32>
        %select_n3A_510 = arith.select %gt3A_506, %select_n3A_497, %select_n3A_508 : vector<16xi1>, vector<16xf32>
        %select_n3A_511 = arith.select %gt3A_506, %select_n3A_498, %select_n3A_509 : vector<16xi1>, vector<16xi32>
        %select_n3A_512 = arith.select %gt3A_506, %get3A_503, %select_n3A_497 : vector<16xi1>, vector<16xf32>
        %select_n3A_513 = arith.select %gt3A_506, %broadcast_in_dim3A_505, %select_n3A_498 : vector<16xi1>, vector<16xi32>
        %get3A_514 = arith.constant 31 : i32
        %get3A_515 = arith.index_cast %get3A_514 : i32 to index
        %get3A_516 = arith.index_cast %mul3A_55 : i32 to index
        %get3A_517 = tpu.vector_load %arg5[%get3A_515, %get3A_516] {strides = array<i32>} : memref<64x512xf32, #tpu.memory_space<vmem>>, vector<1x16xf32>,
        %get3A_518 = vector.shape_cast %get3A_517 : vector<1x16xf32> to vector<16xf32>
        %broadcast_in_dim3A_519 = arith.constant 31 : i32
        %broadcast_in_dim3A_520 = vector.broadcast %broadcast_in_dim3A_519 : i32 to vector<16xi32>
        %gt3A_521 = arith.cmpf ogt, %get3A_518, %select_n3A_512 : vector<16xf32>
        %gt3A_522 = arith.cmpf ogt, %get3A_518, %select_n3A_510 : vector<16xf32>
        %select_n3A_523 = arith.select %gt3A_522, %get3A_518, %select_n3A_510 : vector<16xi1>, vector<16xf32>
        %select_n3A_524 = arith.select %gt3A_522, %broadcast_in_dim3A_520, %select_n3A_511 : vector<16xi1>, vector<16xi32>
        %select_n3A_525 = arith.select %gt3A_521, %select_n3A_512, %select_n3A_523 : vector<16xi1>, vector<16xf32>
        %select_n3A_526 = arith.select %gt3A_521, %select_n3A_513, %select_n3A_524 : vector<16xi1>, vector<16xi32>
        %select_n3A_527 = arith.select %gt3A_521, %get3A_518, %select_n3A_512 : vector<16xi1>, vector<16xf32>
        %select_n3A_528 = arith.select %gt3A_521, %broadcast_in_dim3A_520, %select_n3A_513 : vector<16xi1>, vector<16xi32>
        %get3A_529 = arith.constant 32 : i32
        %get3A_530 = arith.index_cast %get3A_529 : i32 to index
        %get3A_531 = arith.index_cast %mul3A_55 : i32 to index
        %get3A_532 = tpu.vector_load %arg5[%get3A_530, %get3A_531] {strides = array<i32>} : memref<64x512xf32, #tpu.memory_space<vmem>>, vector<1x16xf32>,
        %get3A_533 = vector.shape_cast %get3A_532 : vector<1x16xf32> to vector<16xf32>
        %broadcast_in_dim3A_534 = arith.constant 32 : i32
        %broadcast_in_dim3A_535 = vector.broadcast %broadcast_in_dim3A_534 : i32 to vector<16xi32>
        %gt3A_536 = arith.cmpf ogt, %get3A_533, %select_n3A_527 : vector<16xf32>
        %gt3A_537 = arith.cmpf ogt, %get3A_533, %select_n3A_525 : vector<16xf32>
        %select_n3A_538 = arith.select %gt3A_537, %get3A_533, %select_n3A_525 : vector<16xi1>, vector<16xf32>
        %select_n3A_539 = arith.select %gt3A_537, %broadcast_in_dim3A_535, %select_n3A_526 : vector<16xi1>, vector<16xi32>
        %select_n3A_540 = arith.select %gt3A_536, %select_n3A_527, %select_n3A_538 : vector<16xi1>, vector<16xf32>
        %select_n3A_541 = arith.select %gt3A_536, %select_n3A_528, %select_n3A_539 : vector<16xi1>, vector<16xi32>
        %select_n3A_542 = arith.select %gt3A_536, %get3A_533, %select_n3A_527 : vector<16xi1>, vector<16xf32>
        %select_n3A_543 = arith.select %gt3A_536, %broadcast_in_dim3A_535, %select_n3A_528 : vector<16xi1>, vector<16xi32>
        %get3A_544 = arith.constant 33 : i32
        %get3A_545 = arith.index_cast %get3A_544 : i32 to index
        %get3A_546 = arith.index_cast %mul3A_55 : i32 to index
        %get3A_547 = tpu.vector_load %arg5[%get3A_545, %get3A_546] {strides = array<i32>} : memref<64x512xf32, #tpu.memory_space<vmem>>, vector<1x16xf32>,
        %get3A_548 = vector.shape_cast %get3A_547 : vector<1x16xf32> to vector<16xf32>
        %broadcast_in_dim3A_549 = arith.constant 33 : i32
        %broadcast_in_dim3A_550 = vector.broadcast %broadcast_in_dim3A_549 : i32 to vector<16xi32>
        %gt3A_551 = arith.cmpf ogt, %get3A_548, %select_n3A_542 : vector<16xf32>
        %gt3A_552 = arith.cmpf ogt, %get3A_548, %select_n3A_540 : vector<16xf32>
        %select_n3A_553 = arith.select %gt3A_552, %get3A_548, %select_n3A_540 : vector<16xi1>, vector<16xf32>
        %select_n3A_554 = arith.select %gt3A_552, %broadcast_in_dim3A_550, %select_n3A_541 : vector<16xi1>, vector<16xi32>
        %select_n3A_555 = arith.select %gt3A_551, %select_n3A_542, %select_n3A_553 : vector<16xi1>, vector<16xf32>
        %select_n3A_556 = arith.select %gt3A_551, %select_n3A_543, %select_n3A_554 : vector<16xi1>, vector<16xi32>
        %select_n3A_557 = arith.select %gt3A_551, %get3A_548, %select_n3A_542 : vector<16xi1>, vector<16xf32>
        %select_n3A_558 = arith.select %gt3A_551, %broadcast_in_dim3A_550, %select_n3A_543 : vector<16xi1>, vector<16xi32>
        %get3A_559 = arith.constant 34 : i32
        %get3A_560 = arith.index_cast %get3A_559 : i32 to index
        %get3A_561 = arith.index_cast %mul3A_55 : i32 to index
        %get3A_562 = tpu.vector_load %arg5[%get3A_560, %get3A_561] {strides = array<i32>} : memref<64x512xf32, #tpu.memory_space<vmem>>, vector<1x16xf32>,
        %get3A_563 = vector.shape_cast %get3A_562 : vector<1x16xf32> to vector<16xf32>
        %broadcast_in_dim3A_564 = arith.constant 34 : i32
        %broadcast_in_dim3A_565 = vector.broadcast %broadcast_in_dim3A_564 : i32 to vector<16xi32>
        %gt3A_566 = arith.cmpf ogt, %get3A_563, %select_n3A_557 : vector<16xf32>
        %gt3A_567 = arith.cmpf ogt, %get3A_563, %select_n3A_555 : vector<16xf32>
        %select_n3A_568 = arith.select %gt3A_567, %get3A_563, %select_n3A_555 : vector<16xi1>, vector<16xf32>
        %select_n3A_569 = arith.select %gt3A_567, %broadcast_in_dim3A_565, %select_n3A_556 : vector<16xi1>, vector<16xi32>
        %select_n3A_570 = arith.select %gt3A_566, %select_n3A_557, %select_n3A_568 : vector<16xi1>, vector<16xf32>
        %select_n3A_571 = arith.select %gt3A_566, %select_n3A_558, %select_n3A_569 : vector<16xi1>, vector<16xi32>
        %select_n3A_572 = arith.select %gt3A_566, %get3A_563, %select_n3A_557 : vector<16xi1>, vector<16xf32>
        %select_n3A_573 = arith.select %gt3A_566, %broadcast_in_dim3A_565, %select_n3A_558 : vector<16xi1>, vector<16xi32>
        %get3A_574 = arith.constant 35 : i32
        %get3A_575 = arith.index_cast %get3A_574 : i32 to index
        %get3A_576 = arith.index_cast %mul3A_55 : i32 to index
        %get3A_577 = tpu.vector_load %arg5[%get3A_575, %get3A_576] {strides = array<i32>} : memref<64x512xf32, #tpu.memory_space<vmem>>, vector<1x16xf32>,
        %get3A_578 = vector.shape_cast %get3A_577 : vector<1x16xf32> to vector<16xf32>
        %broadcast_in_dim3A_579 = arith.constant 35 : i32
        %broadcast_in_dim3A_580 = vector.broadcast %broadcast_in_dim3A_579 : i32 to vector<16xi32>
        %gt3A_581 = arith.cmpf ogt, %get3A_578, %select_n3A_572 : vector<16xf32>
        %gt3A_582 = arith.cmpf ogt, %get3A_578, %select_n3A_570 : vector<16xf32>
        %select_n3A_583 = arith.select %gt3A_582, %get3A_578, %select_n3A_570 : vector<16xi1>, vector<16xf32>
        %select_n3A_584 = arith.select %gt3A_582, %broadcast_in_dim3A_580, %select_n3A_571 : vector<16xi1>, vector<16xi32>
        %select_n3A_585 = arith.select %gt3A_581, %select_n3A_572, %select_n3A_583 : vector<16xi1>, vector<16xf32>
        %select_n3A_586 = arith.select %gt3A_581, %select_n3A_573, %select_n3A_584 : vector<16xi1>, vector<16xi32>
        %select_n3A_587 = arith.select %gt3A_581, %get3A_578, %select_n3A_572 : vector<16xi1>, vector<16xf32>
        %select_n3A_588 = arith.select %gt3A_581, %broadcast_in_dim3A_580, %select_n3A_573 : vector<16xi1>, vector<16xi32>
        %get3A_589 = arith.constant 36 : i32
        %get3A_590 = arith.index_cast %get3A_589 : i32 to index
        %get3A_591 = arith.index_cast %mul3A_55 : i32 to index
        %get3A_592 = tpu.vector_load %arg5[%get3A_590, %get3A_591] {strides = array<i32>} : memref<64x512xf32, #tpu.memory_space<vmem>>, vector<1x16xf32>,
        %get3A_593 = vector.shape_cast %get3A_592 : vector<1x16xf32> to vector<16xf32>
        %broadcast_in_dim3A_594 = arith.constant 36 : i32
        %broadcast_in_dim3A_595 = vector.broadcast %broadcast_in_dim3A_594 : i32 to vector<16xi32>
        %gt3A_596 = arith.cmpf ogt, %get3A_593, %select_n3A_587 : vector<16xf32>
        %gt3A_597 = arith.cmpf ogt, %get3A_593, %select_n3A_585 : vector<16xf32>
        %select_n3A_598 = arith.select %gt3A_597, %get3A_593, %select_n3A_585 : vector<16xi1>, vector<16xf32>
        %select_n3A_599 = arith.select %gt3A_597, %broadcast_in_dim3A_595, %select_n3A_586 : vector<16xi1>, vector<16xi32>
        %select_n3A_600 = arith.select %gt3A_596, %select_n3A_587, %select_n3A_598 : vector<16xi1>, vector<16xf32>
        %select_n3A_601 = arith.select %gt3A_596, %select_n3A_588, %select_n3A_599 : vector<16xi1>, vector<16xi32>
        %select_n3A_602 = arith.select %gt3A_596, %get3A_593, %select_n3A_587 : vector<16xi1>, vector<16xf32>
        %select_n3A_603 = arith.select %gt3A_596, %broadcast_in_dim3A_595, %select_n3A_588 : vector<16xi1>, vector<16xi32>
        %get3A_604 = arith.constant 37 : i32
        %get3A_605 = arith.index_cast %get3A_604 : i32 to index
        %get3A_606 = arith.index_cast %mul3A_55 : i32 to index
        %get3A_607 = tpu.vector_load %arg5[%get3A_605, %get3A_606] {strides = array<i32>} : memref<64x512xf32, #tpu.memory_space<vmem>>, vector<1x16xf32>,
        %get3A_608 = vector.shape_cast %get3A_607 : vector<1x16xf32> to vector<16xf32>
        %broadcast_in_dim3A_609 = arith.constant 37 : i32
        %broadcast_in_dim3A_610 = vector.broadcast %broadcast_in_dim3A_609 : i32 to vector<16xi32>
        %gt3A_611 = arith.cmpf ogt, %get3A_608, %select_n3A_602 : vector<16xf32>
        %gt3A_612 = arith.cmpf ogt, %get3A_608, %select_n3A_600 : vector<16xf32>
        %select_n3A_613 = arith.select %gt3A_612, %get3A_608, %select_n3A_600 : vector<16xi1>, vector<16xf32>
        %select_n3A_614 = arith.select %gt3A_612, %broadcast_in_dim3A_610, %select_n3A_601 : vector<16xi1>, vector<16xi32>
        %select_n3A_615 = arith.select %gt3A_611, %select_n3A_602, %select_n3A_613 : vector<16xi1>, vector<16xf32>
        %select_n3A_616 = arith.select %gt3A_611, %select_n3A_603, %select_n3A_614 : vector<16xi1>, vector<16xi32>
        %select_n3A_617 = arith.select %gt3A_611, %get3A_608, %select_n3A_602 : vector<16xi1>, vector<16xf32>
        %select_n3A_618 = arith.select %gt3A_611, %broadcast_in_dim3A_610, %select_n3A_603 : vector<16xi1>, vector<16xi32>
        %get3A_619 = arith.constant 38 : i32
        %get3A_620 = arith.index_cast %get3A_619 : i32 to index
        %get3A_621 = arith.index_cast %mul3A_55 : i32 to index
        %get3A_622 = tpu.vector_load %arg5[%get3A_620, %get3A_621] {strides = array<i32>} : memref<64x512xf32, #tpu.memory_space<vmem>>, vector<1x16xf32>,
        %get3A_623 = vector.shape_cast %get3A_622 : vector<1x16xf32> to vector<16xf32>
        %broadcast_in_dim3A_624 = arith.constant 38 : i32
        %broadcast_in_dim3A_625 = vector.broadcast %broadcast_in_dim3A_624 : i32 to vector<16xi32>
        %gt3A_626 = arith.cmpf ogt, %get3A_623, %select_n3A_617 : vector<16xf32>
        %gt3A_627 = arith.cmpf ogt, %get3A_623, %select_n3A_615 : vector<16xf32>
        %select_n3A_628 = arith.select %gt3A_627, %get3A_623, %select_n3A_615 : vector<16xi1>, vector<16xf32>
        %select_n3A_629 = arith.select %gt3A_627, %broadcast_in_dim3A_625, %select_n3A_616 : vector<16xi1>, vector<16xi32>
        %select_n3A_630 = arith.select %gt3A_626, %select_n3A_617, %select_n3A_628 : vector<16xi1>, vector<16xf32>
        %select_n3A_631 = arith.select %gt3A_626, %select_n3A_618, %select_n3A_629 : vector<16xi1>, vector<16xi32>
        %select_n3A_632 = arith.select %gt3A_626, %get3A_623, %select_n3A_617 : vector<16xi1>, vector<16xf32>
        %select_n3A_633 = arith.select %gt3A_626, %broadcast_in_dim3A_625, %select_n3A_618 : vector<16xi1>, vector<16xi32>
        %get3A_634 = arith.constant 39 : i32
        %get3A_635 = arith.index_cast %get3A_634 : i32 to index
        %get3A_636 = arith.index_cast %mul3A_55 : i32 to index
        %get3A_637 = tpu.vector_load %arg5[%get3A_635, %get3A_636] {strides = array<i32>} : memref<64x512xf32, #tpu.memory_space<vmem>>, vector<1x16xf32>,
        %get3A_638 = vector.shape_cast %get3A_637 : vector<1x16xf32> to vector<16xf32>
        %broadcast_in_dim3A_639 = arith.constant 39 : i32
        %broadcast_in_dim3A_640 = vector.broadcast %broadcast_in_dim3A_639 : i32 to vector<16xi32>
        %gt3A_641 = arith.cmpf ogt, %get3A_638, %select_n3A_632 : vector<16xf32>
        %gt3A_642 = arith.cmpf ogt, %get3A_638, %select_n3A_630 : vector<16xf32>
        %select_n3A_643 = arith.select %gt3A_642, %get3A_638, %select_n3A_630 : vector<16xi1>, vector<16xf32>
        %select_n3A_644 = arith.select %gt3A_642, %broadcast_in_dim3A_640, %select_n3A_631 : vector<16xi1>, vector<16xi32>
        %select_n3A_645 = arith.select %gt3A_641, %select_n3A_632, %select_n3A_643 : vector<16xi1>, vector<16xf32>
        %select_n3A_646 = arith.select %gt3A_641, %select_n3A_633, %select_n3A_644 : vector<16xi1>, vector<16xi32>
        %select_n3A_647 = arith.select %gt3A_641, %get3A_638, %select_n3A_632 : vector<16xi1>, vector<16xf32>
        %select_n3A_648 = arith.select %gt3A_641, %broadcast_in_dim3A_640, %select_n3A_633 : vector<16xi1>, vector<16xi32>
        %get3A_649 = arith.constant 40 : i32
        %get3A_650 = arith.index_cast %get3A_649 : i32 to index
        %get3A_651 = arith.index_cast %mul3A_55 : i32 to index
        %get3A_652 = tpu.vector_load %arg5[%get3A_650, %get3A_651] {strides = array<i32>} : memref<64x512xf32, #tpu.memory_space<vmem>>, vector<1x16xf32>,
        %get3A_653 = vector.shape_cast %get3A_652 : vector<1x16xf32> to vector<16xf32>
        %broadcast_in_dim3A_654 = arith.constant 40 : i32
        %broadcast_in_dim3A_655 = vector.broadcast %broadcast_in_dim3A_654 : i32 to vector<16xi32>
        %gt3A_656 = arith.cmpf ogt, %get3A_653, %select_n3A_647 : vector<16xf32>
        %gt3A_657 = arith.cmpf ogt, %get3A_653, %select_n3A_645 : vector<16xf32>
        %select_n3A_658 = arith.select %gt3A_657, %get3A_653, %select_n3A_645 : vector<16xi1>, vector<16xf32>
        %select_n3A_659 = arith.select %gt3A_657, %broadcast_in_dim3A_655, %select_n3A_646 : vector<16xi1>, vector<16xi32>
        %select_n3A_660 = arith.select %gt3A_656, %select_n3A_647, %select_n3A_658 : vector<16xi1>, vector<16xf32>
        %select_n3A_661 = arith.select %gt3A_656, %select_n3A_648, %select_n3A_659 : vector<16xi1>, vector<16xi32>
        %select_n3A_662 = arith.select %gt3A_656, %get3A_653, %select_n3A_647 : vector<16xi1>, vector<16xf32>
        %select_n3A_663 = arith.select %gt3A_656, %broadcast_in_dim3A_655, %select_n3A_648 : vector<16xi1>, vector<16xi32>
        %get3A_664 = arith.constant 41 : i32
        %get3A_665 = arith.index_cast %get3A_664 : i32 to index
        %get3A_666 = arith.index_cast %mul3A_55 : i32 to index
        %get3A_667 = tpu.vector_load %arg5[%get3A_665, %get3A_666] {strides = array<i32>} : memref<64x512xf32, #tpu.memory_space<vmem>>, vector<1x16xf32>,
        %get3A_668 = vector.shape_cast %get3A_667 : vector<1x16xf32> to vector<16xf32>
        %broadcast_in_dim3A_669 = arith.constant 41 : i32
        %broadcast_in_dim3A_670 = vector.broadcast %broadcast_in_dim3A_669 : i32 to vector<16xi32>
        %gt3A_671 = arith.cmpf ogt, %get3A_668, %select_n3A_662 : vector<16xf32>
        %gt3A_672 = arith.cmpf ogt, %get3A_668, %select_n3A_660 : vector<16xf32>
        %select_n3A_673 = arith.select %gt3A_672, %get3A_668, %select_n3A_660 : vector<16xi1>, vector<16xf32>
        %select_n3A_674 = arith.select %gt3A_672, %broadcast_in_dim3A_670, %select_n3A_661 : vector<16xi1>, vector<16xi32>
        %select_n3A_675 = arith.select %gt3A_671, %select_n3A_662, %select_n3A_673 : vector<16xi1>, vector<16xf32>
        %select_n3A_676 = arith.select %gt3A_671, %select_n3A_663, %select_n3A_674 : vector<16xi1>, vector<16xi32>
        %select_n3A_677 = arith.select %gt3A_671, %get3A_668, %select_n3A_662 : vector<16xi1>, vector<16xf32>
        %select_n3A_678 = arith.select %gt3A_671, %broadcast_in_dim3A_670, %select_n3A_663 : vector<16xi1>, vector<16xi32>
        %get3A_679 = arith.constant 42 : i32
        %get3A_680 = arith.index_cast %get3A_679 : i32 to index
        %get3A_681 = arith.index_cast %mul3A_55 : i32 to index
        %get3A_682 = tpu.vector_load %arg5[%get3A_680, %get3A_681] {strides = array<i32>} : memref<64x512xf32, #tpu.memory_space<vmem>>, vector<1x16xf32>,
        %get3A_683 = vector.shape_cast %get3A_682 : vector<1x16xf32> to vector<16xf32>
        %broadcast_in_dim3A_684 = arith.constant 42 : i32
        %broadcast_in_dim3A_685 = vector.broadcast %broadcast_in_dim3A_684 : i32 to vector<16xi32>
        %gt3A_686 = arith.cmpf ogt, %get3A_683, %select_n3A_677 : vector<16xf32>
        %gt3A_687 = arith.cmpf ogt, %get3A_683, %select_n3A_675 : vector<16xf32>
        %select_n3A_688 = arith.select %gt3A_687, %get3A_683, %select_n3A_675 : vector<16xi1>, vector<16xf32>
        %select_n3A_689 = arith.select %gt3A_687, %broadcast_in_dim3A_685, %select_n3A_676 : vector<16xi1>, vector<16xi32>
        %select_n3A_690 = arith.select %gt3A_686, %select_n3A_677, %select_n3A_688 : vector<16xi1>, vector<16xf32>
        %select_n3A_691 = arith.select %gt3A_686, %select_n3A_678, %select_n3A_689 : vector<16xi1>, vector<16xi32>
        %select_n3A_692 = arith.select %gt3A_686, %get3A_683, %select_n3A_677 : vector<16xi1>, vector<16xf32>
        %select_n3A_693 = arith.select %gt3A_686, %broadcast_in_dim3A_685, %select_n3A_678 : vector<16xi1>, vector<16xi32>
        %get3A_694 = arith.constant 43 : i32
        %get3A_695 = arith.index_cast %get3A_694 : i32 to index
        %get3A_696 = arith.index_cast %mul3A_55 : i32 to index
        %get3A_697 = tpu.vector_load %arg5[%get3A_695, %get3A_696] {strides = array<i32>} : memref<64x512xf32, #tpu.memory_space<vmem>>, vector<1x16xf32>,
        %get3A_698 = vector.shape_cast %get3A_697 : vector<1x16xf32> to vector<16xf32>
        %broadcast_in_dim3A_699 = arith.constant 43 : i32
        %broadcast_in_dim3A_700 = vector.broadcast %broadcast_in_dim3A_699 : i32 to vector<16xi32>
        %gt3A_701 = arith.cmpf ogt, %get3A_698, %select_n3A_692 : vector<16xf32>
        %gt3A_702 = arith.cmpf ogt, %get3A_698, %select_n3A_690 : vector<16xf32>
        %select_n3A_703 = arith.select %gt3A_702, %get3A_698, %select_n3A_690 : vector<16xi1>, vector<16xf32>
        %select_n3A_704 = arith.select %gt3A_702, %broadcast_in_dim3A_700, %select_n3A_691 : vector<16xi1>, vector<16xi32>
        %select_n3A_705 = arith.select %gt3A_701, %select_n3A_692, %select_n3A_703 : vector<16xi1>, vector<16xf32>
        %select_n3A_706 = arith.select %gt3A_701, %select_n3A_693, %select_n3A_704 : vector<16xi1>, vector<16xi32>
        %select_n3A_707 = arith.select %gt3A_701, %get3A_698, %select_n3A_692 : vector<16xi1>, vector<16xf32>
        %select_n3A_708 = arith.select %gt3A_701, %broadcast_in_dim3A_700, %select_n3A_693 : vector<16xi1>, vector<16xi32>
        %get3A_709 = arith.constant 44 : i32
        %get3A_710 = arith.index_cast %get3A_709 : i32 to index
        %get3A_711 = arith.index_cast %mul3A_55 : i32 to index
        %get3A_712 = tpu.vector_load %arg5[%get3A_710, %get3A_711] {strides = array<i32>} : memref<64x512xf32, #tpu.memory_space<vmem>>, vector<1x16xf32>,
        %get3A_713 = vector.shape_cast %get3A_712 : vector<1x16xf32> to vector<16xf32>
        %broadcast_in_dim3A_714 = arith.constant 44 : i32
        %broadcast_in_dim3A_715 = vector.broadcast %broadcast_in_dim3A_714 : i32 to vector<16xi32>
        %gt3A_716 = arith.cmpf ogt, %get3A_713, %select_n3A_707 : vector<16xf32>
        %gt3A_717 = arith.cmpf ogt, %get3A_713, %select_n3A_705 : vector<16xf32>
        %select_n3A_718 = arith.select %gt3A_717, %get3A_713, %select_n3A_705 : vector<16xi1>, vector<16xf32>
        %select_n3A_719 = arith.select %gt3A_717, %broadcast_in_dim3A_715, %select_n3A_706 : vector<16xi1>, vector<16xi32>
        %select_n3A_720 = arith.select %gt3A_716, %select_n3A_707, %select_n3A_718 : vector<16xi1>, vector<16xf32>
        %select_n3A_721 = arith.select %gt3A_716, %select_n3A_708, %select_n3A_719 : vector<16xi1>, vector<16xi32>
        %select_n3A_722 = arith.select %gt3A_716, %get3A_713, %select_n3A_707 : vector<16xi1>, vector<16xf32>
        %select_n3A_723 = arith.select %gt3A_716, %broadcast_in_dim3A_715, %select_n3A_708 : vector<16xi1>, vector<16xi32>
        %get3A_724 = arith.constant 45 : i32
        %get3A_725 = arith.index_cast %get3A_724 : i32 to index
        %get3A_726 = arith.index_cast %mul3A_55 : i32 to index
        %get3A_727 = tpu.vector_load %arg5[%get3A_725, %get3A_726] {strides = array<i32>} : memref<64x512xf32, #tpu.memory_space<vmem>>, vector<1x16xf32>,
        %get3A_728 = vector.shape_cast %get3A_727 : vector<1x16xf32> to vector<16xf32>
        %broadcast_in_dim3A_729 = arith.constant 45 : i32
        %broadcast_in_dim3A_730 = vector.broadcast %broadcast_in_dim3A_729 : i32 to vector<16xi32>
        %gt3A_731 = arith.cmpf ogt, %get3A_728, %select_n3A_722 : vector<16xf32>
        %gt3A_732 = arith.cmpf ogt, %get3A_728, %select_n3A_720 : vector<16xf32>
        %select_n3A_733 = arith.select %gt3A_732, %get3A_728, %select_n3A_720 : vector<16xi1>, vector<16xf32>
        %select_n3A_734 = arith.select %gt3A_732, %broadcast_in_dim3A_730, %select_n3A_721 : vector<16xi1>, vector<16xi32>
        %select_n3A_735 = arith.select %gt3A_731, %select_n3A_722, %select_n3A_733 : vector<16xi1>, vector<16xf32>
        %select_n3A_736 = arith.select %gt3A_731, %select_n3A_723, %select_n3A_734 : vector<16xi1>, vector<16xi32>
        %select_n3A_737 = arith.select %gt3A_731, %get3A_728, %select_n3A_722 : vector<16xi1>, vector<16xf32>
        %select_n3A_738 = arith.select %gt3A_731, %broadcast_in_dim3A_730, %select_n3A_723 : vector<16xi1>, vector<16xi32>
        %get3A_739 = arith.constant 46 : i32
        %get3A_740 = arith.index_cast %get3A_739 : i32 to index
        %get3A_741 = arith.index_cast %mul3A_55 : i32 to index
        %get3A_742 = tpu.vector_load %arg5[%get3A_740, %get3A_741] {strides = array<i32>} : memref<64x512xf32, #tpu.memory_space<vmem>>, vector<1x16xf32>,
        %get3A_743 = vector.shape_cast %get3A_742 : vector<1x16xf32> to vector<16xf32>
        %broadcast_in_dim3A_744 = arith.constant 46 : i32
        %broadcast_in_dim3A_745 = vector.broadcast %broadcast_in_dim3A_744 : i32 to vector<16xi32>
        %gt3A_746 = arith.cmpf ogt, %get3A_743, %select_n3A_737 : vector<16xf32>
        %gt3A_747 = arith.cmpf ogt, %get3A_743, %select_n3A_735 : vector<16xf32>
        %select_n3A_748 = arith.select %gt3A_747, %get3A_743, %select_n3A_735 : vector<16xi1>, vector<16xf32>
        %select_n3A_749 = arith.select %gt3A_747, %broadcast_in_dim3A_745, %select_n3A_736 : vector<16xi1>, vector<16xi32>
        %select_n3A_750 = arith.select %gt3A_746, %select_n3A_737, %select_n3A_748 : vector<16xi1>, vector<16xf32>
        %select_n3A_751 = arith.select %gt3A_746, %select_n3A_738, %select_n3A_749 : vector<16xi1>, vector<16xi32>
        %select_n3A_752 = arith.select %gt3A_746, %get3A_743, %select_n3A_737 : vector<16xi1>, vector<16xf32>
        %select_n3A_753 = arith.select %gt3A_746, %broadcast_in_dim3A_745, %select_n3A_738 : vector<16xi1>, vector<16xi32>
        %get3A_754 = arith.constant 47 : i32
        %get3A_755 = arith.index_cast %get3A_754 : i32 to index
        %get3A_756 = arith.index_cast %mul3A_55 : i32 to index
        %get3A_757 = tpu.vector_load %arg5[%get3A_755, %get3A_756] {strides = array<i32>} : memref<64x512xf32, #tpu.memory_space<vmem>>, vector<1x16xf32>,
        %get3A_758 = vector.shape_cast %get3A_757 : vector<1x16xf32> to vector<16xf32>
        %broadcast_in_dim3A_759 = arith.constant 47 : i32
        %broadcast_in_dim3A_760 = vector.broadcast %broadcast_in_dim3A_759 : i32 to vector<16xi32>
        %gt3A_761 = arith.cmpf ogt, %get3A_758, %select_n3A_752 : vector<16xf32>
        %gt3A_762 = arith.cmpf ogt, %get3A_758, %select_n3A_750 : vector<16xf32>
        %select_n3A_763 = arith.select %gt3A_762, %get3A_758, %select_n3A_750 : vector<16xi1>, vector<16xf32>
        %select_n3A_764 = arith.select %gt3A_762, %broadcast_in_dim3A_760, %select_n3A_751 : vector<16xi1>, vector<16xi32>
        %select_n3A_765 = arith.select %gt3A_761, %select_n3A_752, %select_n3A_763 : vector<16xi1>, vector<16xf32>
        %select_n3A_766 = arith.select %gt3A_761, %select_n3A_753, %select_n3A_764 : vector<16xi1>, vector<16xi32>
        %select_n3A_767 = arith.select %gt3A_761, %get3A_758, %select_n3A_752 : vector<16xi1>, vector<16xf32>
        %select_n3A_768 = arith.select %gt3A_761, %broadcast_in_dim3A_760, %select_n3A_753 : vector<16xi1>, vector<16xi32>
        %get3A_769 = arith.constant 48 : i32
        %get3A_770 = arith.index_cast %get3A_769 : i32 to index
        %get3A_771 = arith.index_cast %mul3A_55 : i32 to index
        %get3A_772 = tpu.vector_load %arg5[%get3A_770, %get3A_771] {strides = array<i32>} : memref<64x512xf32, #tpu.memory_space<vmem>>, vector<1x16xf32>,
        %get3A_773 = vector.shape_cast %get3A_772 : vector<1x16xf32> to vector<16xf32>
        %broadcast_in_dim3A_774 = arith.constant 48 : i32
        %broadcast_in_dim3A_775 = vector.broadcast %broadcast_in_dim3A_774 : i32 to vector<16xi32>
        %gt3A_776 = arith.cmpf ogt, %get3A_773, %select_n3A_767 : vector<16xf32>
        %gt3A_777 = arith.cmpf ogt, %get3A_773, %select_n3A_765 : vector<16xf32>
        %select_n3A_778 = arith.select %gt3A_777, %get3A_773, %select_n3A_765 : vector<16xi1>, vector<16xf32>
        %select_n3A_779 = arith.select %gt3A_777, %broadcast_in_dim3A_775, %select_n3A_766 : vector<16xi1>, vector<16xi32>
        %select_n3A_780 = arith.select %gt3A_776, %select_n3A_767, %select_n3A_778 : vector<16xi1>, vector<16xf32>
        %select_n3A_781 = arith.select %gt3A_776, %select_n3A_768, %select_n3A_779 : vector<16xi1>, vector<16xi32>
        %select_n3A_782 = arith.select %gt3A_776, %get3A_773, %select_n3A_767 : vector<16xi1>, vector<16xf32>
        %select_n3A_783 = arith.select %gt3A_776, %broadcast_in_dim3A_775, %select_n3A_768 : vector<16xi1>, vector<16xi32>
        %get3A_784 = arith.constant 49 : i32
        %get3A_785 = arith.index_cast %get3A_784 : i32 to index
        %get3A_786 = arith.index_cast %mul3A_55 : i32 to index
        %get3A_787 = tpu.vector_load %arg5[%get3A_785, %get3A_786] {strides = array<i32>} : memref<64x512xf32, #tpu.memory_space<vmem>>, vector<1x16xf32>,
        %get3A_788 = vector.shape_cast %get3A_787 : vector<1x16xf32> to vector<16xf32>
        %broadcast_in_dim3A_789 = arith.constant 49 : i32
        %broadcast_in_dim3A_790 = vector.broadcast %broadcast_in_dim3A_789 : i32 to vector<16xi32>
        %gt3A_791 = arith.cmpf ogt, %get3A_788, %select_n3A_782 : vector<16xf32>
        %gt3A_792 = arith.cmpf ogt, %get3A_788, %select_n3A_780 : vector<16xf32>
        %select_n3A_793 = arith.select %gt3A_792, %get3A_788, %select_n3A_780 : vector<16xi1>, vector<16xf32>
        %select_n3A_794 = arith.select %gt3A_792, %broadcast_in_dim3A_790, %select_n3A_781 : vector<16xi1>, vector<16xi32>
        %select_n3A_795 = arith.select %gt3A_791, %select_n3A_782, %select_n3A_793 : vector<16xi1>, vector<16xf32>
        %select_n3A_796 = arith.select %gt3A_791, %select_n3A_783, %select_n3A_794 : vector<16xi1>, vector<16xi32>
        %select_n3A_797 = arith.select %gt3A_791, %get3A_788, %select_n3A_782 : vector<16xi1>, vector<16xf32>
        %select_n3A_798 = arith.select %gt3A_791, %broadcast_in_dim3A_790, %select_n3A_783 : vector<16xi1>, vector<16xi32>
        %get3A_799 = arith.constant 50 : i32
        %get3A_800 = arith.index_cast %get3A_799 : i32 to index
        %get3A_801 = arith.index_cast %mul3A_55 : i32 to index
        %get3A_802 = tpu.vector_load %arg5[%get3A_800, %get3A_801] {strides = array<i32>} : memref<64x512xf32, #tpu.memory_space<vmem>>, vector<1x16xf32>,
        %get3A_803 = vector.shape_cast %get3A_802 : vector<1x16xf32> to vector<16xf32>
        %broadcast_in_dim3A_804 = arith.constant 50 : i32
        %broadcast_in_dim3A_805 = vector.broadcast %broadcast_in_dim3A_804 : i32 to vector<16xi32>
        %gt3A_806 = arith.cmpf ogt, %get3A_803, %select_n3A_797 : vector<16xf32>
        %gt3A_807 = arith.cmpf ogt, %get3A_803, %select_n3A_795 : vector<16xf32>
        %select_n3A_808 = arith.select %gt3A_807, %get3A_803, %select_n3A_795 : vector<16xi1>, vector<16xf32>
        %select_n3A_809 = arith.select %gt3A_807, %broadcast_in_dim3A_805, %select_n3A_796 : vector<16xi1>, vector<16xi32>
        %select_n3A_810 = arith.select %gt3A_806, %select_n3A_797, %select_n3A_808 : vector<16xi1>, vector<16xf32>
        %select_n3A_811 = arith.select %gt3A_806, %select_n3A_798, %select_n3A_809 : vector<16xi1>, vector<16xi32>
        %select_n3A_812 = arith.select %gt3A_806, %get3A_803, %select_n3A_797 : vector<16xi1>, vector<16xf32>
        %select_n3A_813 = arith.select %gt3A_806, %broadcast_in_dim3A_805, %select_n3A_798 : vector<16xi1>, vector<16xi32>
        %get3A_814 = arith.constant 51 : i32
        %get3A_815 = arith.index_cast %get3A_814 : i32 to index
        %get3A_816 = arith.index_cast %mul3A_55 : i32 to index
        %get3A_817 = tpu.vector_load %arg5[%get3A_815, %get3A_816] {strides = array<i32>} : memref<64x512xf32, #tpu.memory_space<vmem>>, vector<1x16xf32>,
        %get3A_818 = vector.shape_cast %get3A_817 : vector<1x16xf32> to vector<16xf32>
        %broadcast_in_dim3A_819 = arith.constant 51 : i32
        %broadcast_in_dim3A_820 = vector.broadcast %broadcast_in_dim3A_819 : i32 to vector<16xi32>
        %gt3A_821 = arith.cmpf ogt, %get3A_818, %select_n3A_812 : vector<16xf32>
        %gt3A_822 = arith.cmpf ogt, %get3A_818, %select_n3A_810 : vector<16xf32>
        %select_n3A_823 = arith.select %gt3A_822, %get3A_818, %select_n3A_810 : vector<16xi1>, vector<16xf32>
        %select_n3A_824 = arith.select %gt3A_822, %broadcast_in_dim3A_820, %select_n3A_811 : vector<16xi1>, vector<16xi32>
        %select_n3A_825 = arith.select %gt3A_821, %select_n3A_812, %select_n3A_823 : vector<16xi1>, vector<16xf32>
        %select_n3A_826 = arith.select %gt3A_821, %select_n3A_813, %select_n3A_824 : vector<16xi1>, vector<16xi32>
        %select_n3A_827 = arith.select %gt3A_821, %get3A_818, %select_n3A_812 : vector<16xi1>, vector<16xf32>
        %select_n3A_828 = arith.select %gt3A_821, %broadcast_in_dim3A_820, %select_n3A_813 : vector<16xi1>, vector<16xi32>
        %get3A_829 = arith.constant 52 : i32
        %get3A_830 = arith.index_cast %get3A_829 : i32 to index
        %get3A_831 = arith.index_cast %mul3A_55 : i32 to index
        %get3A_832 = tpu.vector_load %arg5[%get3A_830, %get3A_831] {strides = array<i32>} : memref<64x512xf32, #tpu.memory_space<vmem>>, vector<1x16xf32>,
        %get3A_833 = vector.shape_cast %get3A_832 : vector<1x16xf32> to vector<16xf32>
        %broadcast_in_dim3A_834 = arith.constant 52 : i32
        %broadcast_in_dim3A_835 = vector.broadcast %broadcast_in_dim3A_834 : i32 to vector<16xi32>
        %gt3A_836 = arith.cmpf ogt, %get3A_833, %select_n3A_827 : vector<16xf32>
        %gt3A_837 = arith.cmpf ogt, %get3A_833, %select_n3A_825 : vector<16xf32>
        %select_n3A_838 = arith.select %gt3A_837, %get3A_833, %select_n3A_825 : vector<16xi1>, vector<16xf32>
        %select_n3A_839 = arith.select %gt3A_837, %broadcast_in_dim3A_835, %select_n3A_826 : vector<16xi1>, vector<16xi32>
        %select_n3A_840 = arith.select %gt3A_836, %select_n3A_827, %select_n3A_838 : vector<16xi1>, vector<16xf32>
        %select_n3A_841 = arith.select %gt3A_836, %select_n3A_828, %select_n3A_839 : vector<16xi1>, vector<16xi32>
        %select_n3A_842 = arith.select %gt3A_836, %get3A_833, %select_n3A_827 : vector<16xi1>, vector<16xf32>
        %select_n3A_843 = arith.select %gt3A_836, %broadcast_in_dim3A_835, %select_n3A_828 : vector<16xi1>, vector<16xi32>
        %get3A_844 = arith.constant 53 : i32
        %get3A_845 = arith.index_cast %get3A_844 : i32 to index
        %get3A_846 = arith.index_cast %mul3A_55 : i32 to index
        %get3A_847 = tpu.vector_load %arg5[%get3A_845, %get3A_846] {strides = array<i32>} : memref<64x512xf32, #tpu.memory_space<vmem>>, vector<1x16xf32>,
        %get3A_848 = vector.shape_cast %get3A_847 : vector<1x16xf32> to vector<16xf32>
        %broadcast_in_dim3A_849 = arith.constant 53 : i32
        %broadcast_in_dim3A_850 = vector.broadcast %broadcast_in_dim3A_849 : i32 to vector<16xi32>
        %gt3A_851 = arith.cmpf ogt, %get3A_848, %select_n3A_842 : vector<16xf32>
        %gt3A_852 = arith.cmpf ogt, %get3A_848, %select_n3A_840 : vector<16xf32>
        %select_n3A_853 = arith.select %gt3A_852, %get3A_848, %select_n3A_840 : vector<16xi1>, vector<16xf32>
        %select_n3A_854 = arith.select %gt3A_852, %broadcast_in_dim3A_850, %select_n3A_841 : vector<16xi1>, vector<16xi32>
        %select_n3A_855 = arith.select %gt3A_851, %select_n3A_842, %select_n3A_853 : vector<16xi1>, vector<16xf32>
        %select_n3A_856 = arith.select %gt3A_851, %select_n3A_843, %select_n3A_854 : vector<16xi1>, vector<16xi32>
        %select_n3A_857 = arith.select %gt3A_851, %get3A_848, %select_n3A_842 : vector<16xi1>, vector<16xf32>
        %select_n3A_858 = arith.select %gt3A_851, %broadcast_in_dim3A_850, %select_n3A_843 : vector<16xi1>, vector<16xi32>
        %get3A_859 = arith.constant 54 : i32
        %get3A_860 = arith.index_cast %get3A_859 : i32 to index
        %get3A_861 = arith.index_cast %mul3A_55 : i32 to index
        %get3A_862 = tpu.vector_load %arg5[%get3A_860, %get3A_861] {strides = array<i32>} : memref<64x512xf32, #tpu.memory_space<vmem>>, vector<1x16xf32>,
        %get3A_863 = vector.shape_cast %get3A_862 : vector<1x16xf32> to vector<16xf32>
        %broadcast_in_dim3A_864 = arith.constant 54 : i32
        %broadcast_in_dim3A_865 = vector.broadcast %broadcast_in_dim3A_864 : i32 to vector<16xi32>
        %gt3A_866 = arith.cmpf ogt, %get3A_863, %select_n3A_857 : vector<16xf32>
        %gt3A_867 = arith.cmpf ogt, %get3A_863, %select_n3A_855 : vector<16xf32>
        %select_n3A_868 = arith.select %gt3A_867, %get3A_863, %select_n3A_855 : vector<16xi1>, vector<16xf32>
        %select_n3A_869 = arith.select %gt3A_867, %broadcast_in_dim3A_865, %select_n3A_856 : vector<16xi1>, vector<16xi32>
        %select_n3A_870 = arith.select %gt3A_866, %select_n3A_857, %select_n3A_868 : vector<16xi1>, vector<16xf32>
        %select_n3A_871 = arith.select %gt3A_866, %select_n3A_858, %select_n3A_869 : vector<16xi1>, vector<16xi32>
        %select_n3A_872 = arith.select %gt3A_866, %get3A_863, %select_n3A_857 : vector<16xi1>, vector<16xf32>
        %select_n3A_873 = arith.select %gt3A_866, %broadcast_in_dim3A_865, %select_n3A_858 : vector<16xi1>, vector<16xi32>
        %get3A_874 = arith.constant 55 : i32
        %get3A_875 = arith.index_cast %get3A_874 : i32 to index
        %get3A_876 = arith.index_cast %mul3A_55 : i32 to index
        %get3A_877 = tpu.vector_load %arg5[%get3A_875, %get3A_876] {strides = array<i32>} : memref<64x512xf32, #tpu.memory_space<vmem>>, vector<1x16xf32>,
        %get3A_878 = vector.shape_cast %get3A_877 : vector<1x16xf32> to vector<16xf32>
        %broadcast_in_dim3A_879 = arith.constant 55 : i32
        %broadcast_in_dim3A_880 = vector.broadcast %broadcast_in_dim3A_879 : i32 to vector<16xi32>
        %gt3A_881 = arith.cmpf ogt, %get3A_878, %select_n3A_872 : vector<16xf32>
        %gt3A_882 = arith.cmpf ogt, %get3A_878, %select_n3A_870 : vector<16xf32>
        %select_n3A_883 = arith.select %gt3A_882, %get3A_878, %select_n3A_870 : vector<16xi1>, vector<16xf32>
        %select_n3A_884 = arith.select %gt3A_882, %broadcast_in_dim3A_880, %select_n3A_871 : vector<16xi1>, vector<16xi32>
        %select_n3A_885 = arith.select %gt3A_881, %select_n3A_872, %select_n3A_883 : vector<16xi1>, vector<16xf32>
        %select_n3A_886 = arith.select %gt3A_881, %select_n3A_873, %select_n3A_884 : vector<16xi1>, vector<16xi32>
        %select_n3A_887 = arith.select %gt3A_881, %get3A_878, %select_n3A_872 : vector<16xi1>, vector<16xf32>
        %select_n3A_888 = arith.select %gt3A_881, %broadcast_in_dim3A_880, %select_n3A_873 : vector<16xi1>, vector<16xi32>
        %get3A_889 = arith.constant 56 : i32
        %get3A_890 = arith.index_cast %get3A_889 : i32 to index
        %get3A_891 = arith.index_cast %mul3A_55 : i32 to index
        %get3A_892 = tpu.vector_load %arg5[%get3A_890, %get3A_891] {strides = array<i32>} : memref<64x512xf32, #tpu.memory_space<vmem>>, vector<1x16xf32>,
        %get3A_893 = vector.shape_cast %get3A_892 : vector<1x16xf32> to vector<16xf32>
        %broadcast_in_dim3A_894 = arith.constant 56 : i32
        %broadcast_in_dim3A_895 = vector.broadcast %broadcast_in_dim3A_894 : i32 to vector<16xi32>
        %gt3A_896 = arith.cmpf ogt, %get3A_893, %select_n3A_887 : vector<16xf32>
        %gt3A_897 = arith.cmpf ogt, %get3A_893, %select_n3A_885 : vector<16xf32>
        %select_n3A_898 = arith.select %gt3A_897, %get3A_893, %select_n3A_885 : vector<16xi1>, vector<16xf32>
        %select_n3A_899 = arith.select %gt3A_897, %broadcast_in_dim3A_895, %select_n3A_886 : vector<16xi1>, vector<16xi32>
        %select_n3A_900 = arith.select %gt3A_896, %select_n3A_887, %select_n3A_898 : vector<16xi1>, vector<16xf32>
        %select_n3A_901 = arith.select %gt3A_896, %select_n3A_888, %select_n3A_899 : vector<16xi1>, vector<16xi32>
        %select_n3A_902 = arith.select %gt3A_896, %get3A_893, %select_n3A_887 : vector<16xi1>, vector<16xf32>
        %select_n3A_903 = arith.select %gt3A_896, %broadcast_in_dim3A_895, %select_n3A_888 : vector<16xi1>, vector<16xi32>
        %get3A_904 = arith.constant 57 : i32
        %get3A_905 = arith.index_cast %get3A_904 : i32 to index
        %get3A_906 = arith.index_cast %mul3A_55 : i32 to index
        %get3A_907 = tpu.vector_load %arg5[%get3A_905, %get3A_906] {strides = array<i32>} : memref<64x512xf32, #tpu.memory_space<vmem>>, vector<1x16xf32>,
        %get3A_908 = vector.shape_cast %get3A_907 : vector<1x16xf32> to vector<16xf32>
        %broadcast_in_dim3A_909 = arith.constant 57 : i32
        %broadcast_in_dim3A_910 = vector.broadcast %broadcast_in_dim3A_909 : i32 to vector<16xi32>
        %gt3A_911 = arith.cmpf ogt, %get3A_908, %select_n3A_902 : vector<16xf32>
        %gt3A_912 = arith.cmpf ogt, %get3A_908, %select_n3A_900 : vector<16xf32>
        %select_n3A_913 = arith.select %gt3A_912, %get3A_908, %select_n3A_900 : vector<16xi1>, vector<16xf32>
        %select_n3A_914 = arith.select %gt3A_912, %broadcast_in_dim3A_910, %select_n3A_901 : vector<16xi1>, vector<16xi32>
        %select_n3A_915 = arith.select %gt3A_911, %select_n3A_902, %select_n3A_913 : vector<16xi1>, vector<16xf32>
        %select_n3A_916 = arith.select %gt3A_911, %select_n3A_903, %select_n3A_914 : vector<16xi1>, vector<16xi32>
        %select_n3A_917 = arith.select %gt3A_911, %get3A_908, %select_n3A_902 : vector<16xi1>, vector<16xf32>
        %select_n3A_918 = arith.select %gt3A_911, %broadcast_in_dim3A_910, %select_n3A_903 : vector<16xi1>, vector<16xi32>
        %get3A_919 = arith.constant 58 : i32
        %get3A_920 = arith.index_cast %get3A_919 : i32 to index
        %get3A_921 = arith.index_cast %mul3A_55 : i32 to index
        %get3A_922 = tpu.vector_load %arg5[%get3A_920, %get3A_921] {strides = array<i32>} : memref<64x512xf32, #tpu.memory_space<vmem>>, vector<1x16xf32>,
        %get3A_923 = vector.shape_cast %get3A_922 : vector<1x16xf32> to vector<16xf32>
        %broadcast_in_dim3A_924 = arith.constant 58 : i32
        %broadcast_in_dim3A_925 = vector.broadcast %broadcast_in_dim3A_924 : i32 to vector<16xi32>
        %gt3A_926 = arith.cmpf ogt, %get3A_923, %select_n3A_917 : vector<16xf32>
        %gt3A_927 = arith.cmpf ogt, %get3A_923, %select_n3A_915 : vector<16xf32>
        %select_n3A_928 = arith.select %gt3A_927, %get3A_923, %select_n3A_915 : vector<16xi1>, vector<16xf32>
        %select_n3A_929 = arith.select %gt3A_927, %broadcast_in_dim3A_925, %select_n3A_916 : vector<16xi1>, vector<16xi32>
        %select_n3A_930 = arith.select %gt3A_926, %select_n3A_917, %select_n3A_928 : vector<16xi1>, vector<16xf32>
        %select_n3A_931 = arith.select %gt3A_926, %select_n3A_918, %select_n3A_929 : vector<16xi1>, vector<16xi32>
        %select_n3A_932 = arith.select %gt3A_926, %get3A_923, %select_n3A_917 : vector<16xi1>, vector<16xf32>
        %select_n3A_933 = arith.select %gt3A_926, %broadcast_in_dim3A_925, %select_n3A_918 : vector<16xi1>, vector<16xi32>
        %get3A_934 = arith.constant 59 : i32
        %get3A_935 = arith.index_cast %get3A_934 : i32 to index
        %get3A_936 = arith.index_cast %mul3A_55 : i32 to index
        %get3A_937 = tpu.vector_load %arg5[%get3A_935, %get3A_936] {strides = array<i32>} : memref<64x512xf32, #tpu.memory_space<vmem>>, vector<1x16xf32>,
        %get3A_938 = vector.shape_cast %get3A_937 : vector<1x16xf32> to vector<16xf32>
        %broadcast_in_dim3A_939 = arith.constant 59 : i32
        %broadcast_in_dim3A_940 = vector.broadcast %broadcast_in_dim3A_939 : i32 to vector<16xi32>
        %gt3A_941 = arith.cmpf ogt, %get3A_938, %select_n3A_932 : vector<16xf32>
        %gt3A_942 = arith.cmpf ogt, %get3A_938, %select_n3A_930 : vector<16xf32>
        %select_n3A_943 = arith.select %gt3A_942, %get3A_938, %select_n3A_930 : vector<16xi1>, vector<16xf32>
        %select_n3A_944 = arith.select %gt3A_942, %broadcast_in_dim3A_940, %select_n3A_931 : vector<16xi1>, vector<16xi32>
        %select_n3A_945 = arith.select %gt3A_941, %select_n3A_932, %select_n3A_943 : vector<16xi1>, vector<16xf32>
        %select_n3A_946 = arith.select %gt3A_941, %select_n3A_933, %select_n3A_944 : vector<16xi1>, vector<16xi32>
        %select_n3A_947 = arith.select %gt3A_941, %get3A_938, %select_n3A_932 : vector<16xi1>, vector<16xf32>
        %select_n3A_948 = arith.select %gt3A_941, %broadcast_in_dim3A_940, %select_n3A_933 : vector<16xi1>, vector<16xi32>
        %get3A_949 = arith.constant 60 : i32
        %get3A_950 = arith.index_cast %get3A_949 : i32 to index
        %get3A_951 = arith.index_cast %mul3A_55 : i32 to index
        %get3A_952 = tpu.vector_load %arg5[%get3A_950, %get3A_951] {strides = array<i32>} : memref<64x512xf32, #tpu.memory_space<vmem>>, vector<1x16xf32>,
        %get3A_953 = vector.shape_cast %get3A_952 : vector<1x16xf32> to vector<16xf32>
        %broadcast_in_dim3A_954 = arith.constant 60 : i32
        %broadcast_in_dim3A_955 = vector.broadcast %broadcast_in_dim3A_954 : i32 to vector<16xi32>
        %gt3A_956 = arith.cmpf ogt, %get3A_953, %select_n3A_947 : vector<16xf32>
        %gt3A_957 = arith.cmpf ogt, %get3A_953, %select_n3A_945 : vector<16xf32>
        %select_n3A_958 = arith.select %gt3A_957, %get3A_953, %select_n3A_945 : vector<16xi1>, vector<16xf32>
        %select_n3A_959 = arith.select %gt3A_957, %broadcast_in_dim3A_955, %select_n3A_946 : vector<16xi1>, vector<16xi32>
        %select_n3A_960 = arith.select %gt3A_956, %select_n3A_947, %select_n3A_958 : vector<16xi1>, vector<16xf32>
        %select_n3A_961 = arith.select %gt3A_956, %select_n3A_948, %select_n3A_959 : vector<16xi1>, vector<16xi32>
        %select_n3A_962 = arith.select %gt3A_956, %get3A_953, %select_n3A_947 : vector<16xi1>, vector<16xf32>
        %select_n3A_963 = arith.select %gt3A_956, %broadcast_in_dim3A_955, %select_n3A_948 : vector<16xi1>, vector<16xi32>
        %get3A_964 = arith.constant 61 : i32
        %get3A_965 = arith.index_cast %get3A_964 : i32 to index
        %get3A_966 = arith.index_cast %mul3A_55 : i32 to index
        %get3A_967 = tpu.vector_load %arg5[%get3A_965, %get3A_966] {strides = array<i32>} : memref<64x512xf32, #tpu.memory_space<vmem>>, vector<1x16xf32>,
        %get3A_968 = vector.shape_cast %get3A_967 : vector<1x16xf32> to vector<16xf32>
        %broadcast_in_dim3A_969 = arith.constant 61 : i32
        %broadcast_in_dim3A_970 = vector.broadcast %broadcast_in_dim3A_969 : i32 to vector<16xi32>
        %gt3A_971 = arith.cmpf ogt, %get3A_968, %select_n3A_962 : vector<16xf32>
        %gt3A_972 = arith.cmpf ogt, %get3A_968, %select_n3A_960 : vector<16xf32>
        %select_n3A_973 = arith.select %gt3A_972, %get3A_968, %select_n3A_960 : vector<16xi1>, vector<16xf32>
        %select_n3A_974 = arith.select %gt3A_972, %broadcast_in_dim3A_970, %select_n3A_961 : vector<16xi1>, vector<16xi32>
        %select_n3A_975 = arith.select %gt3A_971, %select_n3A_962, %select_n3A_973 : vector<16xi1>, vector<16xf32>
        %select_n3A_976 = arith.select %gt3A_971, %select_n3A_963, %select_n3A_974 : vector<16xi1>, vector<16xi32>
        %select_n3A_977 = arith.select %gt3A_971, %get3A_968, %select_n3A_962 : vector<16xi1>, vector<16xf32>
        %select_n3A_978 = arith.select %gt3A_971, %broadcast_in_dim3A_970, %select_n3A_963 : vector<16xi1>, vector<16xi32>
        %get3A_979 = arith.constant 62 : i32
        %get3A_980 = arith.index_cast %get3A_979 : i32 to index
        %get3A_981 = arith.index_cast %mul3A_55 : i32 to index
        %get3A_982 = tpu.vector_load %arg5[%get3A_980, %get3A_981] {strides = array<i32>} : memref<64x512xf32, #tpu.memory_space<vmem>>, vector<1x16xf32>,
        %get3A_983 = vector.shape_cast %get3A_982 : vector<1x16xf32> to vector<16xf32>
        %broadcast_in_dim3A_984 = arith.constant 62 : i32
        %broadcast_in_dim3A_985 = vector.broadcast %broadcast_in_dim3A_984 : i32 to vector<16xi32>
        %gt3A_986 = arith.cmpf ogt, %get3A_983, %select_n3A_977 : vector<16xf32>
        %gt3A_987 = arith.cmpf ogt, %get3A_983, %select_n3A_975 : vector<16xf32>
        %select_n3A_988 = arith.select %gt3A_987, %get3A_983, %select_n3A_975 : vector<16xi1>, vector<16xf32>
        %select_n3A_989 = arith.select %gt3A_987, %broadcast_in_dim3A_985, %select_n3A_976 : vector<16xi1>, vector<16xi32>
        %select_n3A_990 = arith.select %gt3A_986, %select_n3A_977, %select_n3A_988 : vector<16xi1>, vector<16xf32>
        %select_n3A_991 = arith.select %gt3A_986, %select_n3A_978, %select_n3A_989 : vector<16xi1>, vector<16xi32>
        %select_n3A_992 = arith.select %gt3A_986, %get3A_983, %select_n3A_977 : vector<16xi1>, vector<16xf32>
        %select_n3A_993 = arith.select %gt3A_986, %broadcast_in_dim3A_985, %select_n3A_978 : vector<16xi1>, vector<16xi32>
        %get3A_994 = arith.constant 63 : i32
        %get3A_995 = arith.index_cast %get3A_994 : i32 to index
        %get3A_996 = arith.index_cast %mul3A_55 : i32 to index
        %get3A_997 = tpu.vector_load %arg5[%get3A_995, %get3A_996] {strides = array<i32>} : memref<64x512xf32, #tpu.memory_space<vmem>>, vector<1x16xf32>,
        %get3A_998 = vector.shape_cast %get3A_997 : vector<1x16xf32> to vector<16xf32>
        %broadcast_in_dim3A_999 = arith.constant 63 : i32
        %broadcast_in_dim3A_1000 = vector.broadcast %broadcast_in_dim3A_999 : i32 to vector<16xi32>
        %gt3A_1001 = arith.cmpf ogt, %get3A_998, %select_n3A_992 : vector<16xf32>
        %gt3A_1002 = arith.cmpf ogt, %get3A_998, %select_n3A_990 : vector<16xf32>
        %select_n3A_1003 = arith.select %gt3A_1002, %get3A_998, %select_n3A_990 : vector<16xi1>, vector<16xf32>
        %select_n3A_1004 = arith.select %gt3A_1002, %broadcast_in_dim3A_1000, %select_n3A_991 : vector<16xi1>, vector<16xi32>
        %select_n3A_1005 = arith.select %gt3A_1001, %select_n3A_992, %select_n3A_1003 : vector<16xi1>, vector<16xf32>
        %select_n3A_1006 = arith.select %gt3A_1001, %select_n3A_993, %select_n3A_1004 : vector<16xi1>, vector<16xi32>
        %select_n3A_1007 = arith.select %gt3A_1001, %get3A_998, %select_n3A_992 : vector<16xi1>, vector<16xf32>
        %select_n3A_1008 = arith.select %gt3A_1001, %broadcast_in_dim3A_1000, %select_n3A_993 : vector<16xi1>, vector<16xi32>
        %add3A_1009 = arith.addf %select_n3A_1007, %select_n3A_1005 : vector<16xf32>
        %div3A_1010 = arith.divf %select_n3A_1007, %add3A_1009 : vector<16xf32>
        %swap3A = arith.constant 0 : i32
        %swap3A_1011 = arith.index_cast %swap3A : i32 to index
        %swap3A_1012 = arith.index_cast %mul3A_55 : i32 to index
        %swap3A_1013 = tpu.vector_load %arg6[%swap3A_1011, %swap3A_1012] {strides = array<i32>} : memref<2x512xf32, #tpu.memory_space<vmem>>, vector<1x16xf32>,
        %swap3A_1014 = vector.shape_cast %swap3A_1013 : vector<1x16xf32> to vector<16xf32>
        %swap3A_1015 = vector.shape_cast %div3A_1010 : vector<16xf32> to vector<1x16xf32>
        tpu.vector_store %arg6[%swap3A_1011, %swap3A_1012], %swap3A_1015 {strides = array<i32>} : memref<2x512xf32, #tpu.memory_space<vmem>>, vector<1x16xf32>,
        %div3A_1016 = arith.divf %select_n3A_1005, %add3A_1009 : vector<16xf32>
        %swap3A_1017 = arith.constant 1 : i32
        %swap3A_1018 = arith.index_cast %swap3A_1017 : i32 to index
        %swap3A_1019 = arith.index_cast %mul3A_55 : i32 to index
        %swap3A_1020 = tpu.vector_load %arg6[%swap3A_1018, %swap3A_1019] {strides = array<i32>} : memref<2x512xf32, #tpu.memory_space<vmem>>, vector<1x16xf32>,
        %swap3A_1021 = vector.shape_cast %swap3A_1020 : vector<1x16xf32> to vector<16xf32>
        %swap3A_1022 = vector.shape_cast %div3A_1016 : vector<16xf32> to vector<1x16xf32>
        tpu.vector_store %arg6[%swap3A_1018, %swap3A_1019], %swap3A_1022 {strides = array<i32>} : memref<2x512xf32, #tpu.memory_space<vmem>>, vector<1x16xf32>,
        %swap3A_1023 = arith.constant 0 : i32
        %swap3A_1024 = arith.index_cast %swap3A_1023 : i32 to index
        %swap3A_1025 = arith.index_cast %mul3A_55 : i32 to index
        %swap3A_1026 = tpu.vector_load %arg7[%swap3A_1024, %swap3A_1025] {strides = array<i32>} : memref<2x512xi32, #tpu.memory_space<vmem>>, vector<1x16xi32>,
        %swap3A_1027 = vector.shape_cast %swap3A_1026 : vector<1x16xi32> to vector<16xi32>
        %swap3A_1028 = vector.shape_cast %select_n3A_1008 : vector<16xi32> to vector<1x16xi32>
        tpu.vector_store %arg7[%swap3A_1024, %swap3A_1025], %swap3A_1028 {strides = array<i32>} : memref<2x512xi32, #tpu.memory_space<vmem>>, vector<1x16xi32>,
        %swap3A_1029 = arith.constant 1 : i32
        %swap3A_1030 = arith.index_cast %swap3A_1029 : i32 to index
        %swap3A_1031 = arith.index_cast %mul3A_55 : i32 to index
        %swap3A_1032 = tpu.vector_load %arg7[%swap3A_1030, %swap3A_1031] {strides = array<i32>} : memref<2x512xi32, #tpu.memory_space<vmem>>, vector<1x16xi32>,
        %swap3A_1033 = vector.shape_cast %swap3A_1032 : vector<1x16xi32> to vector<16xi32>
        %swap3A_1034 = vector.shape_cast %select_n3A_1006 : vector<16xi32> to vector<1x16xi32>
        tpu.vector_store %arg7[%swap3A_1030, %swap3A_1031], %swap3A_1034 {strides = array<i32>} : memref<2x512xi32, #tpu.memory_space<vmem>>, vector<1x16xi32>,
        %scan3A_1035 = arith.constant 0 : i32
        scf.yield %scan3A_1035 : i32
      }
      %scan3A_50 = arith.constant 32 : i32
      "tpu.region"() ({
        %run_scoped3A = tpu.sem_alloc : memref<!tpu.dma_semaphore, #tpu.memory_space<semaphore_mem>>
        %dma_start3A = arith.constant 0 : i32
        %dma_start3A_52 = tpu.memref_slice %arg3[%select_n3A, %dma_start3A, %add3A_43] : memref<4x2x8192xf32, #tpu.memory_space<hbm>> -> memref<1x2x512xf32, #tpu.memory_space<hbm>>
        %dma_start3A_53 = tpu.memref_squeeze %dma_start3A_52 : memref<1x2x512xf32, #tpu.memory_space<hbm>> -> memref<2x512xf32, #tpu.memory_space<hbm>>
        %dma_start3A_54 = arith.constant 0 : i32
        %dma_start3A_55 = tpu.memref_slice %arg3[%select_n3A, %dma_start3A_54, %add3A_43] : memref<4x2x8192xf32, #tpu.memory_space<hbm>> -> memref<1x2x512xf32, #tpu.memory_space<hbm>>
        %dma_start3A_56 = tpu.memref_squeeze %dma_start3A_55 : memref<1x2x512xf32, #tpu.memory_space<hbm>> -> memref<2x512xf32, #tpu.memory_space<hbm>>
        tpu.enqueue_dma source(%arg6 : memref<2x512xf32, #tpu.memory_space<vmem>>) target(%dma_start3A_56 : memref<2x512xf32, #tpu.memory_space<hbm>>) target_semaphore(%run_scoped3A : memref<!tpu.dma_semaphore, #tpu.memory_space<semaphore_mem>>)
        %dma_wait3A = arith.constant 0 : i32
        %dma_wait3A_57 = tpu.memref_slice %arg3[%select_n3A, %dma_wait3A, %add3A_43] : memref<4x2x8192xf32, #tpu.memory_space<hbm>> -> memref<1x2x512xf32, #tpu.memory_space<hbm>>
        %dma_wait3A_58 = tpu.memref_squeeze %dma_wait3A_57 : memref<1x2x512xf32, #tpu.memory_space<hbm>> -> memref<2x512xf32, #tpu.memory_space<hbm>>
        %dma_wait3A_59 = arith.constant 0 : i32
        %dma_wait3A_60 = tpu.memref_slice %arg3[%select_n3A, %dma_wait3A_59, %add3A_43] : memref<4x2x8192xf32, #tpu.memory_space<hbm>> -> memref<1x2x512xf32, #tpu.memory_space<hbm>>
        %dma_wait3A_61 = tpu.memref_squeeze %dma_wait3A_60 : memref<1x2x512xf32, #tpu.memory_space<hbm>> -> memref<2x512xf32, #tpu.memory_space<hbm>>
        tpu.wait_dma2 semaphore(%run_scoped3A : memref<!tpu.dma_semaphore, #tpu.memory_space<semaphore_mem>>) src(%arg6 : memref<2x512xf32, #tpu.memory_space<vmem>>) dst(%dma_wait3A_61 : memref<2x512xf32, #tpu.memory_space<hbm>>)
        tpu.yield
      }) : () -> ()
      "tpu.region"() ({
        %run_scoped3A = tpu.sem_alloc : memref<!tpu.dma_semaphore, #tpu.memory_space<semaphore_mem>>
        %dma_start3A = arith.constant 0 : i32
        %dma_start3A_52 = tpu.memref_slice %arg4[%select_n3A, %dma_start3A, %add3A_43] : memref<4x2x8192xi32, #tpu.memory_space<hbm>> -> memref<1x2x512xi32, #tpu.memory_space<hbm>>
        %dma_start3A_53 = tpu.memref_squeeze %dma_start3A_52 : memref<1x2x512xi32, #tpu.memory_space<hbm>> -> memref<2x512xi32, #tpu.memory_space<hbm>>
        %dma_start3A_54 = arith.constant 0 : i32
        %dma_start3A_55 = tpu.memref_slice %arg4[%select_n3A, %dma_start3A_54, %add3A_43] : memref<4x2x8192xi32, #tpu.memory_space<hbm>> -> memref<1x2x512xi32, #tpu.memory_space<hbm>>
        %dma_start3A_56 = tpu.memref_squeeze %dma_start3A_55 : memref<1x2x512xi32, #tpu.memory_space<hbm>> -> memref<2x512xi32, #tpu.memory_space<hbm>>
        tpu.enqueue_dma source(%arg7 : memref<2x512xi32, #tpu.memory_space<vmem>>) target(%dma_start3A_56 : memref<2x512xi32, #tpu.memory_space<hbm>>) target_semaphore(%run_scoped3A : memref<!tpu.dma_semaphore, #tpu.memory_space<semaphore_mem>>)
        %dma_wait3A = arith.constant 0 : i32
        %dma_wait3A_57 = tpu.memref_slice %arg4[%select_n3A, %dma_wait3A, %add3A_43] : memref<4x2x8192xi32, #tpu.memory_space<hbm>> -> memref<1x2x512xi32, #tpu.memory_space<hbm>>
        %dma_wait3A_58 = tpu.memref_squeeze %dma_wait3A_57 : memref<1x2x512xi32, #tpu.memory_space<hbm>> -> memref<2x512xi32, #tpu.memory_space<hbm>>
        %dma_wait3A_59 = arith.constant 0 : i32
        %dma_wait3A_60 = tpu.memref_slice %arg4[%select_n3A, %dma_wait3A_59, %add3A_43] : memref<4x2x8192xi32, #tpu.memory_space<hbm>> -> memref<1x2x512xi32, #tpu.memory_space<hbm>>
        %dma_wait3A_61 = tpu.memref_squeeze %dma_wait3A_60 : memref<1x2x512xi32, #tpu.memory_space<hbm>> -> memref<2x512xi32, #tpu.memory_space<hbm>>
        tpu.wait_dma2 semaphore(%run_scoped3A : memref<!tpu.dma_semaphore, #tpu.memory_space<semaphore_mem>>) src(%arg7 : memref<2x512xi32, #tpu.memory_space<vmem>>) dst(%dma_wait3A_61 : memref<2x512xi32, #tpu.memory_space<hbm>>)
        tpu.yield
      }) : () -> ()
      %scan3A_51 = arith.constant 0 : i32
      scf.yield %scan3A_51 : i32
    }
    %scan3A_38 = arith.constant 2 : i32
    return
  }
}

module attributes {stable_mosaic.version = 14 : i64} {
  func.func @_router_kernel(%arg0: i32, %arg1: i32, %arg2: memref<1x4096x768xf32, #tpu.memory_space<vmem>>, %arg3: memref<64x768xf32, #tpu.memory_space<vmem>>, %arg4: memref<1x64x4096xf32, #tpu.memory_space<vmem>>) attributes {dimension_semantics = [#tpu.dimension_semantics<parallel>, #tpu.dimension_semantics<parallel>], iteration_bounds = array<i64: 4, 2>, scalar_prefetch = 0 : i64, scratch_operands = 0 : i64, tpu.core_type = #tpu.core_type<tc>, window_params = [{transform_indices = @transform_0, window_bounds = array<i64: 1, 4096, 768>}, {pipeline_mode = #tpu.pipeline_mode<synchronous>, transform_indices = @transform_1, window_bounds = array<i64: 64, 768>}, {transform_indices = @transform_2, window_bounds = array<i64: 1, 64, 4096>}]} {
    %get3A = arith.constant 0 : index
    %get3A_0 = arith.constant 0 : index
    %get3A_1 = arith.constant 0 : index
    %get3A_2 = vector.load %arg2[%get3A, %get3A_0, %get3A_1] : memref<1x4096x768xf32, #tpu.memory_space<vmem>>, vector<1x4096x768xf32>
    %get3A_3 = vector.shape_cast %get3A_2 : vector<1x4096x768xf32> to vector<4096x768xf32>
    %get3A_4 = arith.constant 0 : index
    %get3A_5 = arith.constant 0 : index
    %get3A_6 = vector.load %arg3[%get3A_4, %get3A_5] : memref<64x768xf32, #tpu.memory_space<vmem>>, vector<64x768xf32>
    %dot_general3A = arith.constant dense<0.000000e+00> : vector<64x4096xf32>
    %dot_general3A_7 = tpu.matmul %get3A_6, %get3A_3, %dot_general3A {dimension_numbers = #tpu.dot_dimension_numbers<[1], [1], [0], [0], [0, 0, 1, 0], [], []>, transpose_lhs_hint = false} : vector<64x768xf32>, vector<4096x768xf32>, vector<64x4096xf32> -> vector<64x4096xf32>
    %reduce_max3A = arith.constant dense<0xFF800000> : vector<4096xf32>
    %reduce_max3A_8 = vector.multi_reduction <maximumf>, %dot_general3A_7, %reduce_max3A [0] : vector<64x4096xf32> to vector<4096xf32>
    %broadcast_in_dim3A = vector.shape_cast %reduce_max3A_8 : vector<4096xf32> to vector<1x4096xf32>
    %sub3A = vector.broadcast %broadcast_in_dim3A : vector<1x4096xf32> to vector<64x4096xf32>
    %sub3A_9 = arith.subf %dot_general3A_7, %sub3A : vector<64x4096xf32>
    %exp3A = math.exp %sub3A_9 : vector<64x4096xf32>
    %reduce_sum3A = arith.constant dense<0.000000e+00> : vector<4096xf32>
    %reduce_sum3A_10 = vector.multi_reduction <add>, %exp3A, %reduce_sum3A [0] : vector<64x4096xf32> to vector<4096xf32>
    %broadcast_in_dim3A_11 = vector.shape_cast %reduce_sum3A_10 : vector<4096xf32> to vector<1x4096xf32>
    %div3A = vector.broadcast %broadcast_in_dim3A_11 : vector<1x4096xf32> to vector<64x4096xf32>
    %div3A_12 = arith.divf %exp3A, %div3A : vector<64x4096xf32>
    %swap3A = arith.constant 0 : index
    %swap3A_13 = arith.constant 0 : index
    %swap3A_14 = arith.constant 0 : index
    %swap3A_15 = vector.load %arg4[%swap3A, %swap3A_13, %swap3A_14] : memref<1x64x4096xf32, #tpu.memory_space<vmem>>, vector<1x64x4096xf32>
    %swap3A_16 = vector.shape_cast %swap3A_15 : vector<1x64x4096xf32> to vector<64x4096xf32>
    %swap3A_17 = vector.shape_cast %div3A_12 : vector<64x4096xf32> to vector<1x64x4096xf32>
    tpu.vector_store %arg4[%swap3A, %swap3A_13, %swap3A_14], %swap3A_17 {strides = array<i32>} : memref<1x64x4096xf32, #tpu.memory_space<vmem>>, vector<1x64x4096xf32>,
    return
  }
  func.func @transform_0(%arg0: i32, %arg1: i32) -> (i32, i32, i32) {
    %c0_i32 = arith.constant 0 : i32
    %c0_i32_0 = arith.constant 0 : i32
    return %arg0, %arg1, %c0_i32 : i32, i32, i32
  }
  func.func @transform_1(%arg0: i32, %arg1: i32) -> (i32, i32) {
    %c0_i32 = arith.constant 0 : i32
    %c0_i32_0 = arith.constant 0 : i32
    %c0_i32_1 = arith.constant 0 : i32
    return %c0_i32, %c0_i32_0 : i32, i32
  }
  func.func @transform_2(%arg0: i32, %arg1: i32) -> (i32, i32, i32) {
    %c0_i32 = arith.constant 0 : i32
    %c0_i32_0 = arith.constant 0 : i32
    return %arg0, %c0_i32, %arg1 : i32, i32, i32
  }
}

</mosaic_0001>

<sc_bundles>
// kernel: kernel.4.cloned.1.call-start
scs
__scs_entry_jumppad:
0x0: {  	(pc) =	sbr.rel $0x88, $3  }
0x1: {  	(tag) =	ssettag $0x0;
	lr =	simm.s32 $0x1  }
0x2: {  	[smem:$0x3F9F] =	sst lr;
	_ =	strace $0xD0000000  }
0x3: {  	_ = 	snop  }
0x4: {  	_ = 	snop  }
0x5: {  	_ = 	snop  }
0x6: {  	_ = 	snop  }
0x7: {  	_ = 	snop  }
__scs_overlays_trampoline_lowered:
0x8: {  	[smem:$0x3FAE] =	sst s0  }
0x9: {  	[smem:$0x3FAF] =	sst s1  }
0xa: {  	[smem:$0x3FB0] =	sst s2  }
0xb: {  	[smem:$0x3FB1] =	sst s3  }
0xc: {  	[smem:$0x3FB2] =	sst s4  }
0xd: {  	[smem:$0x3FB3] =	sst s5  }
0xe: {  	[smem:$0x3FB4] =	sst s6  }
0xf: {  	[smem:$0x3FB5] =	sst s7  }
0x10: {  	[smem:$0x3FB6] =	sst s8  }
0x11: {  	[smem:$0x3FB7] =	sst s9;
	s0 =	simm.s32 @!p0 $0x0  }
0x12: {  	s1 =	sld [smem:$0x3F9D];
	s0 =	simm.s32 @p0 $0x1  }
0x13: {  	[smem:$0x3FB8] =	sst s0;
	s0 =	simm.s32 @!p1 $0x0  }
0x14: {  	s2 =	sld [smem:$0x3F9C];
	s0 =	simm.s32 @p1 $0x1  }
0x15: {  	[smem:$0x3FB9] =	sst s0;
	s0 =	simm.s32 @!p2 $0x0  }
0x16: {  	s3 =	sld [smem:$0x3FDB];
	s0 =	simm.s32 @p2 $0x1  }
0x17: {  	s4 =	simm.s32 $0x1BF5;
	[smem:$0x3FBB] =	sst s0  }
0x18: {  	s0 =	sld [smem:$0x3F9E];
	_ =	swait.ge [sflag:s4], $0x0  }
0x19: {  	s7 =	sld [smem:$0x3F9F]  }
0x1a: {  	s8 =	sadd.s32 $0xFFFFE003, lr  }
0x1b: {  	s9 =	sadd.s32 $0xFFFFFEF7, lr;
	s5 =	simm.s32 $0xFFFFFFFF;
	p2 =	slt.u32 s8, $0xFFFFF086  }
0x1c: {  	p1 =	slt.u32 s9, $0xF7A;
	s5 =	simm.s32 @!p2 $0x0  }
0x1d: {  	s5 =	simm.s32 @p1 $0x1;
	p0 =	seq.s32 s7, s2  }
0x1e: {  	s7 =	smul.u32 @!p0 $0xF7A, s2;
	p2 =	seq.s32 @!p0 s5, $0x0  }
0x1f: {  	s9 =	smul.u32 $0xF7A, s1;
	s8 =	simm.s32 @!p0 $0x1BF5;
	p2 =	por !p2, p0  }
0x20: {  	[sflag:s8] =	ssyncset.s32 @!p0 $0xFFFFF086;
	s6 =	sadd.s32 @!p0 s3, s7;
	s7 =	simm.s32 @!p0 $0x108  }
0x21: {  	s3 =	sadd.s32 s3, s9;
	s6 =	sadd.s32 @!p0 $0x88, s6;
	s7 =	simm.s32 @p2 $0x1082  }
0x22: {  	[simem:s7], [sflag:s8] =	dma.local @!p0 [hbm:s6], $0xF7A  }
0x23: {  	s9 =	sor.u32 $0xD0000000, s2;
	s6 =	simm.s32 $0x108;
	_ =	swait.ge @!p0 [sflag:s8], $0x0  }
0x24: {  	s3 =	sadd.s32 $0x88, s3;
	s6 =	simm.s32 @!p1 $0x1082;
	[sflag:s4] =	ssyncset.s32 $0xFFFFF086  }
0x25: {  	[simem:s6], [sflag:s4] =	dma.local [hbm:s3], $0xF7A  }
0x26: {  	[smem:$0x3F9F] =	sst s1;
	(tag) =	ssettag s2;
	_ =	strace s9  }
0x27: {  	s1 =	sld [smem:$0x3FAF]  }
0x28: {  	s2 =	sld [smem:$0x3FB0]  }
0x29: {  	s4 =	sld [smem:$0x3FB2]  }
0x2a: {  	p0 =	seq.s32 s5, $0x0;
	s5 =	sld [smem:$0x3FB3]  }
0x2b: {  	s6 =	sld [smem:$0x3FB4]  }
0x2c: {  	s7 =	sld [smem:$0x3FB5]  }
0x2d: {  	s3 =	simm.s32 $0x108;
	s8 =	sld [smem:$0x3FB6]  }
0x2e: {  	s3 =	simm.s32 @!p0 $0x1082;
	s9 =	sld [smem:$0x3FB7]  }
0x2f: {  	lr =	sadd.s32 s0, s3;
	s0 =	sld [smem:$0x3FAE]  }
0x30: {  	s3 =	sld [smem:$0x3FB1]  }
0x31: {  	[smem:$0x3FBA] =	sst s10  }
0x32: {  	s10 =	sld [smem:$0x3FB8];
	_ =	sdelay $0x3  }
0x33: {  	p0 =	seq.s32 s10, $0x1;
	s10 =	sld [smem:$0x3FBA];
	_ =	sdelay $0x3  }
0x34: {  	[smem:$0x3FBA] =	sst s10  }
0x35: {  	s10 =	sld [smem:$0x3FB9];
	_ =	sdelay $0x3  }
0x36: {  	p1 =	seq.s32 s10, $0x1;
	s10 =	sld [smem:$0x3FBA];
	_ =	sdelay $0x3  }
0x37: {  	[smem:$0x3FBA] =	sst s10  }
0x38: {  	s10 =	sld [smem:$0x3FBB]  }
0x39: {  	_ = 	snop;
	(pc) =	sbr.ind lr, $3  }
0x3a: {  	_ = 	snop  }
0x3b: {  	_ = 	snop  }
0x3c: {  	p2 =	seq.s32 s10, $0x1;
	s10 =	sld [smem:$0x3FBA]  }
0x3d: {  	_ =	shalt  }
0x3e: {  	_ =	shalt  }
0x3f: {  	_ =	shalt  }
0x40: {  	_ =	shalt  }
0x41: {  	_ =	shalt  }
0x42: {  	_ =	shalt  }
0x43: {  	_ =	shalt  }
0x44: {  	_ =	shalt  }
0x45: {  	_ =	shalt  }
0x46: {  	_ =	shalt  }
0x47: {  	_ =	shalt  }
0x48: {  	_ =	shalt  }
0x49: {  	_ =	shalt  }
0x4a: {  	_ =	shalt  }
0x4b: {  	_ =	shalt  }
0x4c: {  	_ =	shalt  }
0x4d: {  	_ =	shalt  }
0x4e: {  	_ =	shalt  }
0x4f: {  	_ =	shalt  }
0x50: {  	_ =	shalt  }
0x51: {  	_ =	shalt  }
0x52: {  	_ =	shalt  }
0x53: {  	_ =	shalt  }
0x54: {  	_ =	shalt  }
0x55: {  	_ =	shalt  }
0x56: {  	_ =	shalt  }
0x57: {  	_ =	shalt  }
0x58: {  	_ =	shalt  }
0x59: {  	_ =	shalt  }
0x5a: {  	_ =	shalt  }
0x5b: {  	_ =	shalt  }
0x5c: {  	_ =	shalt  }
0x5d: {  	_ =	shalt  }
0x5e: {  	_ =	shalt  }
0x5f: {  	_ =	shalt  }
0x60: {  	_ =	shalt  }
0x61: {  	_ =	shalt  }
0x62: {  	_ =	shalt  }
0x63: {  	_ =	shalt  }
0x64: {  	_ =	shalt  }
0x65: {  	_ =	shalt  }
0x66: {  	_ =	shalt  }
0x67: {  	_ =	shalt  }
0x68: {  	_ =	shalt  }
0x69: {  	_ =	shalt  }
0x6a: {  	_ =	shalt  }
0x6b: {  	_ =	shalt  }
0x6c: {  	_ =	shalt  }
0x6d: {  	_ =	shalt  }
0x6e: {  	_ =	shalt  }
0x6f: {  	_ =	shalt  }
0x70: {  	_ =	shalt  }
0x71: {  	_ =	shalt  }
0x72: {  	_ =	shalt  }
0x73: {  	_ =	shalt  }
0x74: {  	_ =	shalt  }
0x75: {  	_ =	shalt  }
0x76: {  	_ =	shalt  }
0x77: {  	_ =	shalt  }
0x78: {  	_ =	shalt  }
0x79: {  	_ =	shalt  }
0x7a: {  	_ =	shalt  }
0x7b: {  	_ =	shalt  }
0x7c: {  	_ =	shalt  }
0x7d: {  	_ =	shalt  }
0x7e: {  	_ =	shalt  }
0x7f: {  	_ =	shalt  }
0x80: {  	_ =	shalt  }
0x81: {  	_ =	shalt  }
0x82: {  	_ =	shalt  }
0x83: {  	_ =	shalt  }
0x84: {  	_ =	shalt  }
0x85: {  	_ =	shalt  }
0x86: {  	_ =	shalt  }
0x87: {  	_ =	shalt  }
.Lfunc_end0:
.L_simem_size_0:
called_computation_lowered:
.L_overlay_start_0:
0x88: {  	s2 =	sld [smem:$0x3FD9]  }
0x89: {  	s3 =	sld [smem:$0x3FFE];
	_ =	sdelay $0x1  }
0x8a: {  	s1 =	srdreg.scid  }
0x8b: {  	s0 =	sand.u32 $0x1, s1  }
0x8c: {  	s15 =	sshll.u32 s0, $0xA;
	s2 =	sadd.s32 s3, s2  }
0x8d: {  	s2 =	sadd.s32 s2, s15  }
0x8e: {  	[smem:$0x3FC6] =	sst s2  }
0x8f: {  	_ = 	snop  }
0x90: {  	s2 =	sld [smem:$0x3FD0];
	_ =	sdelay $0x2  }
0x91: {  	s16 =	simm.s32 $0xA;
	s4 =	simm.s32 $0x10  }
0x92: {  	[smem:s4], [sflag:s16] =	dma.local [hbm:s2], $0x1  }
0x93: {  	_ =	swait.eq [sflag:s16], $0x1  }
0x94: {  	s17 =	sld [smem:$0x10];
	[sflag:s16] =	ssyncset.done $0x0  }
0x95: {  	s18 =	sld [smem:$0x11];
	[sflag:s16] =	ssyncadd.s32 $0xFFFFFFFF  }
0x96: {  	s19 =	sld [smem:$0x12];
	(tm) =	ssettm $0x1  }
0x97: {  	s5 =	sld [smem:$0x3FFB];
	_ =	sdelay $0x3  }
0x98: {  	_ =	strace s5  }
0x99: {  	s5 =	sld [smem:$0x3FFC];
	_ =	sdelay $0x3  }
0x9a: {  	_ =	strace s5  }
0x9b: {  	s5 =	sld [smem:$0x3FFD];
	_ =	sdelay $0x3  }
0x9c: {  	_ =	strace s5  }
0x9d: {  	_ =	strace $0x8FFFFFFF  }
0x9e: {  	s20 =	sld [smem:$0x3FDB];
	_ =	sdelay $0x1  }
0x9f: {  	s6 =	simm.s32 $_scs_section_size  }
0xa0: {  	s7 =	simm.s32 $_size__tile_overlayer_lowered;
	s8 =	simm.s32 $_tile_overlayer_lowered  }
0xa1: {  	s23 =	simm.s32 $0x1BFF;
	s22 =	sshll.u32 s8, $0x1;
	s5 =	sadd.s32 s6, s20  }
0xa2: {  	s9 =	simm.s32 $0x0;
	s21 =	sshll.u32 s7, $0x1;
	s7 =	sadd.s32 s22, s5  }
0xa3: {  	[timem:s9], [sflag:s23] =	dma.local [hbm:s7], s21  }
0xa4: {  	_ =	swait.ge [sflag:s23], s21  }
0xa5: {  	s6 =	ssub.s32 $0x0, s21;
	[sflag:s23] =	ssyncset.done $0x0  }
0xa6: {  	[sflag:s23] =	ssyncadd.s32 s6;
	_ =	sdelay $0x1  }
0xa7: {  	s24 =	simm.s32 $0x1B8B  }
0xa8: {  	_ =	swait.ge [sflag:s24], $0x1  }
0xa9: {  	[sflag:s24] =	ssyncset.done $0x0  }
0xaa: {  	s25 =	simm.s32 $0x1B8E;
	[sflag:s24] =	ssyncadd.s32 $0xFFFFFFFF  }
0xab: {  	s26 =	simm.s32 $execute0_lowered;
	[smem:$0x3FD2] =	sst s25  }
0xac: {  	s6 =	sshll.u32 s26, $0x1;
	_ =	strace $0x80000046;
	[dreg:$0x1] =	wrdreg $0xFFFFFFFF  }
0xad: {  	s28 =	simm.s32 $_size_execute0_lowered;
	s5 =	sadd.s32 s5, s6;
	[dreg:$0x0] =	wrdreg $0x0  }
0xae: {  	s6 =	sshll.u32 s28, $0x1;
	[dreg:$0x2] =	wrdreg s5  }
0xaf: {  	[dreg:$0x3] =	wrdreg s6  }
0xb0: {  	[dreg:$0x4] =	wrdreg $0xC0  }
0xb1: {  	_ =	task [dreg:s9], $0x5FFFF  }
0xb2: {  	[dreg:$0x1] =	wrdreg $0xFFFFFFFF  }
0xb3: {  	[dreg:$0x0] =	wrdreg $0x60  }
0xb4: {  	[dreg:$0x2] =	wrdreg s19  }
0xb5: {  	[dreg:$0x3] =	wrdreg s17  }
0xb6: {  	[dreg:$0x4] =	wrdreg s18  }
0xb7: {  	[dreg:$0x5] =	wrdreg $0x9  }
0xb8: {  	_ =	task.clear_ibuf [dreg:s9], $0x6FFFF;
	_ =	strace $0x90000046  }
0xb9: {  	s29 =	simm.s32 $0x9;
	_ =	strace $0x80000048  }
0xba: {  	_ =	swait.ge [sflag:s29], $0x1  }
0xbb: {  	[sflag:s29] =	ssyncadd.s32 $0xFFFFFFFF  }
0xbc: {  	_ =	strace $0x90000048  }
0xbd: {  	_ =	sfence  }
0xbe: {  	s30 =	sld [smem:$0x0];
	_ =	sdelay $0x2  }
0xbf: {  	s31 =	sshll.u32 s1, $0xD;
	s1 =	sshrl.u32 s1, $0x2  }
0xc0: {  	s3 =	sand.u32 $0x4000, s31;
	s1 =	sadd.s32 s1, s30  }
0xc1: {  	s0 =	sor.u32 s3, s0;
	s1 =	sshll.u32 s1, $0x11  }
0xc2: {  	s0 =	sor.u32 s1, s0  }
0xc3: {  	s0 =	sadd.s32 $0x8F2B, s0  }
0xc4: {  	[sflag:s0] =	ssyncadd.remote.s32 $0x1  }
0xc5: {  	_ =	sfence.sel $0xFFFF  }
0xc6: {  	[dreg:$0x0] =	wrdreg $0xFFFFFFFF;
	(pc) =	sbr.abs _section_cstart, $3  }
0xc7: {  	[dreg:$0x1] =	wrdreg $0xFFFFFFFF  }
0xc8: {  	_ =	task.clear_ibuf [dreg:s9], $0x2FFFF;
	_ =	strace $0x9FFFFFFF  }
0xc9: {  	(tm) =	ssettm $0x7FFFFFFF  }
tec
execute0_lowered:
.L_overlay_start_1:
0x0: {  	(tag) =	ssettag $0x1  }
0x1: {  	s6 =	rddreg [dreg:$0x0]  }
0x2: {  	s1 =	rddreg [dreg:$0x1]  }
0x3: {  	s3 =	rddreg [dreg:$0x2]  }
0x4: {  	s0 =	rddreg [dreg:$0x3]  }
0x5: {  	s4 =	simm.s32 $0x0;
	s5 =	srdreg.scid;
	s2 =	stileid.u32  }
0x6: {  	s11 =	simm.s32 $0x1;
	s12 =	simm.s32 $0x8000;
	s13 =	simm.s32 $0x8400  }
0x7: {  	s14 =	simm.s32 $0x0;
	[smem:$0x7FF] =	sst s4;
	s5 =	sand.u32 $0x1, s5  }
0x8: {  	s7 =	sshll.u32 s2, $0x1;
	s10 =	sshrl.u32 s2, $0x2;
	_ =	strace $0x80000047  }
0x9: {  	s8 =	ssub.s32 $0x2, s5;
	s7 =	sand.u32 $0x6, s7;
	s31 =	sshll.u32 s10, $0x10  }
0xa: {  	s9 =	sshrl.u32 s8, $0x1;
	s5 =	sor.u32 s5, s7;
	s6 =	sadd.s32 s6, s31  }
0xb: {  	s7 =	sshll.u32 s10, $0xE;
	s10 =	simm.s32 $0x10000;
	s8 =	ssub.s32 s8, s9  }
0xc: {  	v0 =	vimm.s32 $0x0;
	s5 =	sshll.u32 s5, $0xA;
	s9 =	simm.s32 $0x1000;
	s8 =	smax.u32 s8, $0x1  }
.LBB2_1:
0xd: {  	p1 =	por $0x1, $0x1;
	s15 =	simm.s32 $0x0  }
.LBB2_2:
0xe: {  	s15 =	sor.u32 s5, s15  }
0xf: {  	s16 =	simm.s32 $0x0;
	s17 =	sadd.s32 s15, s6  }
0x10: {  	[tilespmem:s16], [sflag:$0x1] =	stream.strided.gather [hbm4b:s17+s9], $0x8000, s10, s9, $0x38;
	[tilespmem:$0x8800] =	vst v63  }
0x11: {  	s18 =	simm.s32 $0x0;
	_ =	swait.ge [sflag:s11], $0x8000  }
0x12: {  	s30 =	sand.u32 $0x70, s16;
	s18 =	sand.u32 $0x3FFFFC00, s18;
	[sflag:s11] =	ssyncset.done $0x0  }
0x13: {  	s18 =	sor.u32 s30, s18;
	[sflag:s11] =	ssyncadd.s32 $0xFFFF8000  }
0x14: {  	v1 =	vld [tilespmem:s18+$0x0]  }
0x15: {  	v2 =	vld [tilespmem:s18+$0x80];
	_ =	sdelay $0x2  }
0x16: {  	v3 =	vld [tilespmem:s18+$0x100];
	_ =	sdelay $0x1  }
0x17: {  	vm2 =	vgt.f32 v2, v1;
	vm7 =	vgt.f32 v2, $-1.000000000e+00  }
0x18: {  	v5 =	vld [tilespmem:s18+$0x180];
	vm8 =	vmneg vm2;
	v4 =	vnsel vm7, $0xBF800000, v2  }
0x19: {  	v4 =	vsel vm8, v4, v1  }
0x1a: {  	v1 =	vsel vm8, v1, v2;
	vm14 =	vgt.f32 v3, v4  }
0x1b: {  	v55 =	vld [tilespmem:s18+$0x200];
	vm3 =	vgt.f32 v3, v1;
	v2 =	vsel vm14, v3, v4  }
0x1c: {  	v2 =	vsel vm3, v1, v2  }
0x1d: {  	v1 =	vsel vm3, v3, v1;
	vm9 =	vgt.f32 v5, v2  }
0x1e: {  	v3 =	vld [tilespmem:s18+$0x280];
	vm4 =	vgt.f32 v5, v1;
	v2 =	vsel vm9, v5, v2  }
0x1f: {  	v2 =	vsel vm4, v1, v2  }
0x20: {  	v1 =	vsel vm4, v5, v1;
	vm10 =	vgt.f32 v55, v2  }
0x21: {  	v56 =	vld [tilespmem:s18+$0x300];
	vm5 =	vgt.f32 v55, v1;
	v2 =	vsel vm10, v55, v2  }
0x22: {  	v2 =	vsel vm5, v1, v2  }
0x23: {  	v1 =	vsel vm5, v55, v1;
	vm11 =	vgt.f32 v3, v2  }
0x24: {  	v57 =	vld [tilespmem:s18+$0x380];
	vm6 =	vgt.f32 v3, v1;
	v2 =	vsel vm11, v3, v2  }
0x25: {  	v2 =	vsel vm6, v1, v2  }
0x26: {  	v1 =	vsel vm6, v3, v1;
	vm12 =	vgt.f32 v56, v2  }
0x27: {  	v3 =	vld [tilespmem:s18+$0x1000];
	vm0 =	vgt.f32 v56, v1;
	v2 =	vsel vm12, v56, v2  }
0x28: {  	v2 =	vsel vm0, v1, v2  }
0x29: {  	v1 =	vsel vm0, v56, v1;
	vm13 =	vgt.f32 v57, v2  }
0x2a: {  	v58 =	vld [tilespmem:s18+$0x1080];
	vm1 =	vgt.f32 v57, v1;
	v2 =	vsel vm13, v57, v2  }
0x2b: {  	v6 =	vsel vm2, $0x1, v0;
	v2 =	vsel vm1, v1, v2  }
0x2c: {  	vm8 =	vmand vm8, vm7;
	v1 =	vsel vm1, v57, v1;
	vm7 =	vgt.f32 v3, v2  }
0x2d: {  	v60 =	vld [tilespmem:s18+$0x1100];
	v7 =	vsel vm8, $0x1, v0;
	vm2 =	vgt.f32 v3, v1;
	v2 =	vsel vm7, v3, v2  }
0x2e: {  	v59 =	vsel vm14, $0x2, v7;
	v2 =	vsel vm2, v1, v2  }
0x2f: {  	v4 =	vsel vm3, v6, v59;
	v1 =	vsel vm2, v3, v1;
	vm8 =	vgt.f32 v58, v2  }
0x30: {  	v61 =	vld [tilespmem:s18+$0x1180];
	v6 =	vsel vm3, $0x2, v6;
	vm3 =	vgt.f32 v58, v1;
	v2 =	vsel vm8, v58, v2  }
0x31: {  	v3 =	vsel vm9, $0x3, v4;
	v2 =	vsel vm3, v1, v2  }
0x32: {  	v3 =	vsel vm4, v6, v3;
	v1 =	vsel vm3, v58, v1;
	vm9 =	vgt.f32 v60, v2  }
0x33: {  	v62 =	vld [tilespmem:s18+$0x1200];
	v6 =	vsel vm4, $0x3, v6;
	vm4 =	vgt.f32 v60, v1;
	v2 =	vsel vm9, v60, v2  }
0x34: {  	v3 =	vsel vm10, $0x4, v3;
	v2 =	vsel vm4, v1, v2  }
0x35: {  	v3 =	vsel vm5, v6, v3;
	v1 =	vsel vm4, v60, v1;
	vm10 =	vgt.f32 v61, v2  }
0x36: {  	v63 =	vld [tilespmem:s18+$0x1280];
	v6 =	vsel vm5, $0x4, v6;
	vm5 =	vgt.f32 v61, v1;
	v2 =	vsel vm10, v61, v2  }
0x37: {  	v3 =	vsel vm11, $0x5, v3;
	v2 =	vsel vm5, v1, v2  }
0x38: {  	v3 =	vsel vm6, v6, v3;
	v1 =	vsel vm5, v61, v1;
	vm11 =	vgt.f32 v62, v2  }
0x39: {  	v9 =	vld [tilespmem:s18+$0x1300];
	v6 =	vsel vm6, $0x5, v6;
	vm6 =	vgt.f32 v62, v1;
	v2 =	vsel vm11, v62, v2  }
0x3a: {  	v3 =	vsel vm12, $0x6, v3;
	v2 =	vsel vm6, v1, v2  }
0x3b: {  	v10 =	vsel vm0, $0x6, v6;
	v1 =	vsel vm6, v62, v1;
	vm12 =	vgt.f32 v63, v2  }
0x3c: {  	v11 =	vld [tilespmem:s18+$0x1380];
	v3 =	vsel vm0, v6, v3;
	vm0 =	vgt.f32 v63, v1;
	v2 =	vsel vm12, v63, v2  }
0x3d: {  	v5 =	vsel vm1, $0x7, v10;
	v3 =	vsel vm13, $0x7, v3;
	v2 =	vsel vm0, v1, v2  }
0x3e: {  	v3 =	vsel vm1, v10, v3;
	v1 =	vsel vm0, v63, v1;
	vm13 =	vgt.f32 v9, v2  }
0x3f: {  	v12 =	vld [tilespmem:s18+$0x2000];
	v3 =	vsel vm7, $0x8, v3;
	vm1 =	vgt.f32 v9, v1;
	v2 =	vsel vm13, v9, v2  }
0x40: {  	v3 =	vsel vm2, v5, v3;
	v2 =	vsel vm1, v1, v2  }
0x41: {  	v5 =	vsel vm2, $0x8, v5;
	v1 =	vsel vm1, v9, v1;
	vm7 =	vgt.f32 v11, v2  }
0x42: {  	v13 =	vld [tilespmem:s18+$0x2080];
	v3 =	vsel vm8, $0x9, v3;
	vm2 =	vgt.f32 v11, v1;
	v2 =	vsel vm7, v11, v2  }
0x43: {  	v3 =	vsel vm3, v5, v3;
	v2 =	vsel vm2, v1, v2  }
0x44: {  	v5 =	vsel vm3, $0x9, v5;
	v1 =	vsel vm2, v11, v1;
	vm8 =	vgt.f32 v12, v2  }
0x45: {  	v14 =	vld [tilespmem:s18+$0x2100];
	v3 =	vsel vm9, $0xA, v3;
	vm3 =	vgt.f32 v12, v1;
	v2 =	vsel vm8, v12, v2  }
0x46: {  	v3 =	vsel vm4, v5, v3;
	v2 =	vsel vm3, v1, v2  }
0x47: {  	v5 =	vsel vm4, $0xA, v5;
	v1 =	vsel vm3, v12, v1;
	vm9 =	vgt.f32 v13, v2  }
0x48: {  	v15 =	vld [tilespmem:s18+$0x2180];
	v3 =	vsel vm10, $0xB, v3;
	vm4 =	vgt.f32 v13, v1;
	v2 =	vsel vm9, v13, v2  }
0x49: {  	v3 =	vsel vm5, v5, v3;
	v2 =	vsel vm4, v1, v2  }
0x4a: {  	v5 =	vsel vm5, $0xB, v5;
	v1 =	vsel vm4, v13, v1;
	vm10 =	vgt.f32 v14, v2  }
0x4b: {  	v16 =	vld [tilespmem:s18+$0x2200];
	v3 =	vsel vm11, $0xC, v3;
	vm5 =	vgt.f32 v14, v1;
	v2 =	vsel vm10, v14, v2  }
0x4c: {  	v3 =	vsel vm6, v5, v3;
	v2 =	vsel vm5, v1, v2  }
0x4d: {  	v5 =	vsel vm6, $0xC, v5;
	v1 =	vsel vm5, v14, v1;
	vm11 =	vgt.f32 v15, v2  }
0x4e: {  	v17 =	vld [tilespmem:s18+$0x2280];
	v3 =	vsel vm12, $0xD, v3;
	vm6 =	vgt.f32 v15, v1;
	v2 =	vsel vm11, v15, v2  }
0x4f: {  	v3 =	vsel vm0, v5, v3;
	v2 =	vsel vm6, v1, v2  }
0x50: {  	v5 =	vsel vm0, $0xD, v5;
	v1 =	vsel vm6, v15, v1;
	vm12 =	vgt.f32 v16, v2  }
0x51: {  	v18 =	vld [tilespmem:s18+$0x2300];
	v3 =	vsel vm13, $0xE, v3;
	vm0 =	vgt.f32 v16, v1;
	v2 =	vsel vm12, v16, v2  }
0x52: {  	v3 =	vsel vm1, v5, v3;
	v2 =	vsel vm0, v1, v2  }
0x53: {  	v5 =	vsel vm1, $0xE, v5;
	v1 =	vsel vm0, v16, v1;
	vm13 =	vgt.f32 v17, v2  }
0x54: {  	v19 =	vld [tilespmem:s18+$0x2380];
	v3 =	vsel vm7, $0xF, v3;
	vm1 =	vgt.f32 v17, v1;
	v2 =	vsel vm13, v17, v2  }
0x55: {  	v3 =	vsel vm2, v5, v3;
	v2 =	vsel vm1, v1, v2  }
0x56: {  	v5 =	vsel vm2, $0xF, v5;
	v1 =	vsel vm1, v17, v1;
	vm7 =	vgt.f32 v18, v2  }
0x57: {  	v20 =	vld [tilespmem:s18+$0x3000];
	v3 =	vsel vm8, $0x10, v3;
	vm2 =	vgt.f32 v18, v1;
	v2 =	vsel vm7, v18, v2  }
0x58: {  	v3 =	vsel vm3, v5, v3;
	v2 =	vsel vm2, v1, v2  }
0x59: {  	v5 =	vsel vm3, $0x10, v5;
	v1 =	vsel vm2, v18, v1;
	vm8 =	vgt.f32 v19, v2  }
0x5a: {  	v21 =	vld [tilespmem:s18+$0x3080];
	v3 =	vsel vm9, $0x11, v3;
	vm3 =	vgt.f32 v19, v1;
	v2 =	vsel vm8, v19, v2  }
0x5b: {  	v3 =	vsel vm4, v5, v3;
	v2 =	vsel vm3, v1, v2  }
0x5c: {  	v5 =	vsel vm4, $0x11, v5;
	v1 =	vsel vm3, v19, v1;
	vm9 =	vgt.f32 v20, v2  }
0x5d: {  	v22 =	vld [tilespmem:s18+$0x3100];
	v3 =	vsel vm10, $0x12, v3;
	vm4 =	vgt.f32 v20, v1;
	v2 =	vsel vm9, v20, v2  }
0x5e: {  	v3 =	vsel vm5, v5, v3;
	v2 =	vsel vm4, v1, v2  }
0x5f: {  	v5 =	vsel vm5, $0x12, v5;
	v1 =	vsel vm4, v20, v1;
	vm10 =	vgt.f32 v21, v2  }
0x60: {  	v23 =	vld [tilespmem:s18+$0x3180];
	v3 =	vsel vm11, $0x13, v3;
	vm5 =	vgt.f32 v21, v1;
	v2 =	vsel vm10, v21, v2  }
0x61: {  	v3 =	vsel vm6, v5, v3;
	v2 =	vsel vm5, v1, v2  }
0x62: {  	v5 =	vsel vm6, $0x13, v5;
	v1 =	vsel vm5, v21, v1;
	vm11 =	vgt.f32 v22, v2  }
0x63: {  	v24 =	vld [tilespmem:s18+$0x3200];
	v3 =	vsel vm12, $0x14, v3;
	vm6 =	vgt.f32 v22, v1;
	v2 =	vsel vm11, v22, v2  }
0x64: {  	v3 =	vsel vm0, v5, v3;
	v2 =	vsel vm6, v1, v2  }
0x65: {  	v5 =	vsel vm0, $0x14, v5;
	v1 =	vsel vm6, v22, v1;
	vm12 =	vgt.f32 v23, v2  }
0x66: {  	v25 =	vld [tilespmem:s18+$0x3280];
	v3 =	vsel vm13, $0x15, v3;
	vm0 =	vgt.f32 v23, v1;
	v2 =	vsel vm12, v23, v2  }
0x67: {  	v3 =	vsel vm1, v5, v3;
	v2 =	vsel vm0, v1, v2  }
0x68: {  	v5 =	vsel vm1, $0x15, v5;
	v1 =	vsel vm0, v23, v1;
	vm13 =	vgt.f32 v24, v2  }
0x69: {  	v26 =	vld [tilespmem:s18+$0x3300];
	v3 =	vsel vm7, $0x16, v3;
	vm1 =	vgt.f32 v24, v1;
	v2 =	vsel vm13, v24, v2  }
0x6a: {  	v3 =	vsel vm2, v5, v3;
	v2 =	vsel vm1, v1, v2  }
0x6b: {  	v5 =	vsel vm2, $0x16, v5;
	v1 =	vsel vm1, v24, v1;
	vm7 =	vgt.f32 v25, v2  }
0x6c: {  	v27 =	vld [tilespmem:s18+$0x3380];
	v3 =	vsel vm8, $0x17, v3;
	vm2 =	vgt.f32 v25, v1;
	v2 =	vsel vm7, v25, v2  }
0x6d: {  	v3 =	vsel vm3, v5, v3;
	v2 =	vsel vm2, v1, v2  }
0x6e: {  	v5 =	vsel vm3, $0x17, v5;
	v1 =	vsel vm2, v25, v1;
	vm8 =	vgt.f32 v26, v2  }
0x6f: {  	v28 =	vld [tilespmem:s18+$0x4000];
	v3 =	vsel vm9, $0x18, v3;
	vm3 =	vgt.f32 v26, v1;
	v2 =	vsel vm8, v26, v2  }
0x70: {  	v3 =	vsel vm4, v5, v3;
	v2 =	vsel vm3, v1, v2  }
0x71: {  	v5 =	vsel vm4, $0x18, v5;
	v1 =	vsel vm3, v26, v1;
	vm9 =	vgt.f32 v27, v2  }
0x72: {  	v29 =	vld [tilespmem:s18+$0x4080];
	v3 =	vsel vm10, $0x19, v3;
	vm4 =	vgt.f32 v27, v1;
	v2 =	vsel vm9, v27, v2  }
0x73: {  	v3 =	vsel vm5, v5, v3;
	v2 =	vsel vm4, v1, v2  }
0x74: {  	v5 =	vsel vm5, $0x19, v5;
	v1 =	vsel vm4, v27, v1;
	vm10 =	vgt.f32 v28, v2  }
0x75: {  	v30 =	vld [tilespmem:s18+$0x4100];
	v3 =	vsel vm11, $0x1A, v3;
	vm5 =	vgt.f32 v28, v1;
	v2 =	vsel vm10, v28, v2  }
0x76: {  	v3 =	vsel vm6, v5, v3;
	v2 =	vsel vm5, v1, v2  }
0x77: {  	v5 =	vsel vm6, $0x1A, v5;
	v1 =	vsel vm5, v28, v1;
	vm11 =	vgt.f32 v29, v2  }
0x78: {  	v31 =	vld [tilespmem:s18+$0x4180];
	v3 =	vsel vm12, $0x1B, v3;
	vm6 =	vgt.f32 v29, v1;
	v2 =	vsel vm11, v29, v2  }
0x79: {  	v3 =	vsel vm0, v5, v3;
	v2 =	vsel vm6, v1, v2  }
0x7a: {  	v5 =	vsel vm0, $0x1B, v5;
	v1 =	vsel vm6, v29, v1;
	vm12 =	vgt.f32 v30, v2  }
0x7b: {  	v32 =	vld [tilespmem:s18+$0x4200];
	v3 =	vsel vm13, $0x1C, v3;
	vm0 =	vgt.f32 v30, v1;
	v2 =	vsel vm12, v30, v2  }
0x7c: {  	v3 =	vsel vm1, v5, v3;
	v2 =	vsel vm0, v1, v2  }
0x7d: {  	v5 =	vsel vm1, $0x1C, v5;
	v1 =	vsel vm0, v30, v1;
	vm13 =	vgt.f32 v31, v2  }
0x7e: {  	v33 =	vld [tilespmem:s18+$0x4280];
	v3 =	vsel vm7, $0x1D, v3;
	vm1 =	vgt.f32 v31, v1;
	v2 =	vsel vm13, v31, v2  }
0x7f: {  	v3 =	vsel vm2, v5, v3;
	v2 =	vsel vm1, v1, v2  }
0x80: {  	v5 =	vsel vm2, $0x1D, v5;
	v1 =	vsel vm1, v31, v1;
	vm14 =	vgt.f32 v32, v2  }
0x81: {  	v34 =	vld [tilespmem:s18+$0x4300];
	v3 =	vsel vm8, $0x1E, v3;
	vm2 =	vgt.f32 v32, v1;
	v2 =	vsel vm14, v32, v2  }
0x82: {  	v3 =	vsel vm3, v5, v3;
	v2 =	vsel vm2, v1, v2  }
0x83: {  	v5 =	vsel vm3, $0x1E, v5;
	v1 =	vsel vm2, v32, v1;
	vm8 =	vgt.f32 v33, v2  }
0x84: {  	v35 =	vld [tilespmem:s18+$0x4380];
	v3 =	vsel vm9, $0x1F, v3;
	vm3 =	vgt.f32 v33, v1;
	v2 =	vsel vm8, v33, v2  }
0x85: {  	v3 =	vsel vm4, v5, v3;
	v2 =	vsel vm3, v1, v2  }
0x86: {  	v5 =	vsel vm4, $0x1F, v5;
	v1 =	vsel vm3, v33, v1;
	vm9 =	vgt.f32 v34, v2  }
0x87: {  	v36 =	vld [tilespmem:s18+$0x5000];
	v3 =	vsel vm10, $0x20, v3;
	vm4 =	vgt.f32 v34, v1;
	v2 =	vsel vm9, v34, v2  }
0x88: {  	v3 =	vsel vm5, v5, v3;
	v2 =	vsel vm4, v1, v2  }
0x89: {  	v5 =	vsel vm5, $0x20, v5;
	v1 =	vsel vm4, v34, v1;
	vm10 =	vgt.f32 v35, v2  }
0x8a: {  	v37 =	vld [tilespmem:s18+$0x5080];
	v3 =	vsel vm11, $0x21, v3;
	vm5 =	vgt.f32 v35, v1;
	v2 =	vsel vm10, v35, v2  }
0x8b: {  	v3 =	vsel vm6, v5, v3;
	v2 =	vsel vm5, v1, v2  }
0x8c: {  	v5 =	vsel vm6, $0x21, v5;
	v1 =	vsel vm5, v35, v1;
	vm11 =	vgt.f32 v36, v2  }
0x8d: {  	v38 =	vld [tilespmem:s18+$0x5100];
	v3 =	vsel vm12, $0x22, v3;
	vm6 =	vgt.f32 v36, v1;
	v2 =	vsel vm11, v36, v2  }
0x8e: {  	v3 =	vsel vm0, v5, v3;
	v2 =	vsel vm6, v1, v2  }
0x8f: {  	v5 =	vsel vm0, $0x22, v5;
	v1 =	vsel vm6, v36, v1;
	vm12 =	vgt.f32 v37, v2  }
0x90: {  	v39 =	vld [tilespmem:s18+$0x5180];
	v3 =	vsel vm13, $0x23, v3;
	vm7 =	vgt.f32 v37, v1;
	v2 =	vsel vm12, v37, v2  }
0x91: {  	v3 =	vsel vm1, v5, v3;
	v2 =	vsel vm7, v1, v2  }
0x92: {  	v5 =	vsel vm1, $0x23, v5;
	v1 =	vsel vm7, v37, v1;
	vm13 =	vgt.f32 v38, v2  }
0x93: {  	v40 =	vld [tilespmem:s18+$0x5200];
	v3 =	vsel vm14, $0x24, v3;
	vm1 =	vgt.f32 v38, v1;
	v2 =	vsel vm13, v38, v2  }
0x94: {  	v3 =	vsel vm2, v5, v3;
	v2 =	vsel vm1, v1, v2  }
0x95: {  	v5 =	vsel vm2, $0x24, v5;
	v1 =	vsel vm1, v38, v1;
	vm14 =	vgt.f32 v39, v2  }
0x96: {  	v41 =	vld [tilespmem:s18+$0x5280];
	v3 =	vsel vm8, $0x25, v3;
	vm2 =	vgt.f32 v39, v1;
	v2 =	vsel vm14, v39, v2  }
0x97: {  	v3 =	vsel vm3, v5, v3;
	v2 =	vsel vm2, v1, v2  }
0x98: {  	v5 =	vsel vm3, $0x25, v5;
	v1 =	vsel vm2, v39, v1;
	vm15 =	vgt.f32 v40, v2  }
0x99: {  	v42 =	vld [tilespmem:s18+$0x5300];
	v3 =	vsel vm9, $0x26, v3;
	vm8 =	vgt.f32 v40, v1;
	v2 =	vsel vm15, v40, v2  }
0x9a: {  	v3 =	vsel vm4, v5, v3;
	v2 =	vsel vm8, v1, v2  }
0x9b: {  	v5 =	vsel vm4, $0x26, v5;
	v1 =	vsel vm8, v40, v1;
	vm9 =	vgt.f32 v41, v2  }
0x9c: {  	v44 =	vld [tilespmem:s18+$0x5380];
	v3 =	vsel vm10, $0x27, v3;
	vm3 =	vgt.f32 v41, v1;
	v2 =	vsel vm9, v41, v2  }
0x9d: {  	v43 =	vimm.s32 $0x0;
	v3 =	vsel vm5, v5, v3;
	v2 =	vsel vm3, v1, v2  }
0x9e: {  	v5 =	vsel vm5, $0x27, v5;
	v1 =	vsel vm3, v41, v1;
	vm10 =	vgt.f32 v42, v2  }
0x9f: {  	v45 =	vld [tilespmem:s18+$0x6000];
	v3 =	vsel vm11, $0x28, v3;
	vm0 =	vgt.f32 v42, v1;
	v2 =	vsel vm10, v42, v2  }
0xa0: {  	v3 =	vsel vm6, v5, v3;
	v5 =	vsel vm6, $0x28, v5;
	v2 =	vsel vm0, v1, v2  }
0xa1: {  	v4 =	vsel vm9, $0xFFFFFFFF, v43;
	v1 =	vsel vm0, v42, v1;
	vm9 =	vgt.f32 v44, v2  }
0xa2: {  	v46 =	vld [tilespmem:s18+$0x6080];
	v3 =	vsel vm12, $0x29, v3;
	vm4 =	vgt.f32 v44, v1;
	v2 =	vsel vm9, v44, v2  }
0xa3: {  	v3 =	vsel vm7, v5, v3;
	v2 =	vsel vm4, v1, v2  }
0xa4: {  	v5 =	vsel vm7, $0x29, v5;
	v1 =	vsel vm4, v44, v1;
	vm7 =	vgt.f32 v45, v2  }
0xa5: {  	v47 =	vld [tilespmem:s18+$0x6100];
	v3 =	vsel vm13, $0x2A, v3;
	vm5 =	vgt.f32 v45, v1;
	v2 =	vsel vm7, v45, v2  }
0xa6: {  	v3 =	vsel vm1, v5, v3;
	v2 =	vsel vm5, v1, v2  }
0xa7: {  	v48 =	vld [tilespmem:s18+$0x6180];
	v5 =	vsel vm1, $0x2A, v5;
	[tilespmem:$0x1FFF0] =	vst v4;
	v1 =	vsel vm5, v45, v1;
	vm11 =	vgt.f32 v46, v2  }
0xa8: {  	v3 =	vsel vm14, $0x2B, v3;
	v50 =	vld [tilespmem:$0x1FFF0];
	vm1 =	vgt.f32 v46, v1;
	v2 =	vsel vm11, v46, v2  }
0xa9: {  	v3 =	vsel vm2, v5, v3;
	v2 =	vsel vm1, v1, v2  }
0xaa: {  	v5 =	vsel vm2, $0x2B, v5;
	v1 =	vsel vm1, v46, v1;
	vm12 =	vgt.f32 v47, v2  }
0xab: {  	v49 =	vld [tilespmem:s18+$0x6200];
	v3 =	vsel vm15, $0x2C, v3;
	vm2 =	vgt.f32 v47, v1;
	v2 =	vsel vm12, v47, v2  }
0xac: {  	v3 =	vsel vm8, v5, v3;
	v5 =	vsel vm8, $0x2C, v5;
	v2 =	vsel vm2, v1, v2  }
0xad: {  	vm13 =	vnez.u8 v50;
	v1 =	vsel vm2, v47, v1;
	vm8 =	vgt.f32 v48, v2  }
0xae: {  	v51 =	vld [tilespmem:s18+$0x6280];
	v3 =	vsel vm13, $0x2D, v3;
	vm6 =	vgt.f32 v48, v1;
	v2 =	vsel vm8, v48, v2  }
0xaf: {  	v3 =	vsel vm3, v5, v3;
	v2 =	vsel vm6, v1, v2  }
0xb0: {  	v5 =	vsel vm3, $0x2D, v5;
	v1 =	vsel vm6, v48, v1;
	vm14 =	vgt.f32 v49, v2  }
0xb1: {  	v52 =	vld [tilespmem:s18+$0x6300];
	v3 =	vsel vm10, $0x2E, v3;
	vm3 =	vgt.f32 v49, v1;
	v2 =	vsel vm14, v49, v2  }
0xb2: {  	v3 =	vsel vm0, v5, v3;
	v2 =	vsel vm3, v1, v2  }
0xb3: {  	v5 =	vsel vm0, $0x2E, v5;
	v1 =	vsel vm3, v49, v1;
	vm10 =	vgt.f32 v51, v2  }
0xb4: {  	v53 =	vld [tilespmem:s18+$0x6380];
	v3 =	vsel vm9, $0x2F, v3;
	vm0 =	vgt.f32 v51, v1;
	v2 =	vsel vm10, v51, v2  }
0xb5: {  	v3 =	vsel vm4, v5, v3;
	v2 =	vsel vm0, v1, v2  }
0xb6: {  	v5 =	vsel vm4, $0x2F, v5;
	v1 =	vsel vm0, v51, v1;
	vm13 =	vgt.f32 v52, v2  }
0xb7: {  	v54 =	vld [tilespmem:s18+$0x7000];
	v3 =	vsel vm7, $0x30, v3;
	vm4 =	vgt.f32 v52, v1;
	v2 =	vsel vm13, v52, v2  }
0xb8: {  	v3 =	vsel vm5, v5, v3;
	v2 =	vsel vm4, v1, v2  }
0xb9: {  	v5 =	vsel vm5, $0x30, v5;
	v1 =	vsel vm4, v52, v1;
	vm7 =	vgt.f32 v53, v2  }
0xba: {  	v55 =	vld [tilespmem:s18+$0x7080];
	v3 =	vsel vm11, $0x31, v3;
	vm5 =	vgt.f32 v53, v1;
	v2 =	vsel vm7, v53, v2  }
0xbb: {  	v3 =	vsel vm1, v5, v3;
	v2 =	vsel vm5, v1, v2  }
0xbc: {  	v5 =	vsel vm1, $0x31, v5;
	v1 =	vsel vm5, v53, v1;
	vm11 =	vgt.f32 v54, v2  }
0xbd: {  	v56 =	vld [tilespmem:s18+$0x7100];
	v3 =	vsel vm12, $0x32, v3;
	vm1 =	vgt.f32 v54, v1;
	v2 =	vsel vm11, v54, v2  }
0xbe: {  	v3 =	vsel vm2, v5, v3;
	v2 =	vsel vm1, v1, v2  }
0xbf: {  	v5 =	vsel vm2, $0x32, v5;
	v1 =	vsel vm1, v54, v1;
	vm12 =	vgt.f32 v55, v2  }
0xc0: {  	v57 =	vld [tilespmem:s18+$0x7180];
	v3 =	vsel vm8, $0x33, v3;
	vm2 =	vgt.f32 v55, v1;
	v2 =	vsel vm12, v55, v2  }
0xc1: {  	v3 =	vsel vm6, v5, v3;
	v2 =	vsel vm2, v1, v2  }
0xc2: {  	v5 =	vsel vm6, $0x33, v5;
	v1 =	vsel vm2, v55, v1;
	vm8 =	vgt.f32 v56, v2  }
0xc3: {  	v58 =	vld [tilespmem:s18+$0x7200];
	v3 =	vsel vm14, $0x34, v3;
	vm6 =	vgt.f32 v56, v1;
	v2 =	vsel vm8, v56, v2  }
0xc4: {  	v3 =	vsel vm3, v5, v3;
	v2 =	vsel vm6, v1, v2  }
0xc5: {  	v5 =	vsel vm3, $0x34, v5;
	v1 =	vsel vm6, v56, v1;
	vm9 =	vgt.f32 v57, v2  }
0xc6: {  	v59 =	vld [tilespmem:s18+$0x7280];
	v3 =	vsel vm10, $0x35, v3;
	vm3 =	vgt.f32 v57, v1;
	v2 =	vsel vm9, v57, v2  }
0xc7: {  	v3 =	vsel vm0, v5, v3;
	v2 =	vsel vm3, v1, v2  }
0xc8: {  	v5 =	vsel vm0, $0x35, v5;
	v1 =	vsel vm3, v57, v1;
	vm10 =	vgt.f32 v58, v2  }
0xc9: {  	v60 =	vld [tilespmem:s18+$0x7300];
	v3 =	vsel vm13, $0x36, v3;
	vm0 =	vgt.f32 v58, v1;
	v2 =	vsel vm10, v58, v2  }
0xca: {  	v3 =	vsel vm4, v5, v3;
	v2 =	vsel vm0, v1, v2  }
0xcb: {  	v5 =	vsel vm4, $0x36, v5;
	v1 =	vsel vm0, v58, v1;
	vm13 =	vgt.f32 v59, v2  }
0xcc: {  	v61 =	vld [tilespmem:s18+$0x7380];
	v3 =	vsel vm7, $0x37, v3;
	vm4 =	vgt.f32 v59, v1;
	v2 =	vsel vm13, v59, v2  }
0xcd: {  	v3 =	vsel vm5, v5, v3;
	v2 =	vsel vm4, v1, v2  }
0xce: {  	v5 =	vsel vm5, $0x37, v5;
	v1 =	vsel vm4, v59, v1;
	vm5 =	vgt.f32 v60, v2  }
0xcf: {  	v3 =	vsel vm11, $0x38, v3;
	vm7 =	vgt.f32 v60, v1;
	v2 =	vsel vm5, v60, v2  }
0xd0: {  	v3 =	vsel vm1, v5, v3;
	v2 =	vsel vm7, v1, v2  }
0xd1: {  	v5 =	vsel vm1, $0x38, v5;
	v1 =	vsel vm7, v60, v1;
	vm14 =	vgt.f32 v61, v2  }
0xd2: {  	v3 =	vsel vm12, $0x39, v3;
	vm15 =	vgt.f32 v61, v1;
	v2 =	vsel vm14, v61, v2  }
0xd3: {  	v4 =	vsel vm15, v1, v2;
	v2 =	vsel vm2, v5, v3  }
0xd4: {  	v1 =	vsel vm15, v61, v1;
	v3 =	vsel vm2, $0x39, v5;
	v2 =	vsel vm8, $0x3A, v2  }
0xd5: {  	v62 =	vadd.f32 v4, v1;
	v2 =	vsel vm6, v3, v2  }
0xd6: {  	v3 =	vsel vm6, $0x3A, v3;
	v2 =	vsel vm9, $0x3B, v2  }
0xd7: {  	(erf) = vrcp.f32 v62;
	v2 =	vsel vm3, v3, v2  }
0xd8: {  	v3 =	vsel vm3, $0x3B, v3;
	v2 =	vsel vm10, $0x3C, v2  }
0xd9: {  	v2 =	vsel vm0, v3, v2  }
0xda: {  	v3 =	vsel vm0, $0x3C, v3;
	v2 =	vsel vm13, $0x3D, v2  }
0xdb: {  	v2 =	vsel vm4, v3, v2  }
0xdc: {  	v3 =	vsel vm4, $0x3D, v3;
	v2 =	vsel vm5, $0x3E, v2  }
0xdd: {  	s31 =	simm.s32 $0x0;
	v2 =	vsel vm7, v3, v2;
	v3 =	vsel vm7, $0x3E, v3  }
0xde: {  	s18 =	sand.u32 $0xFFFFFF00, s31  }
0xdf: {  	s22 =	sor.u32 s30, s18;
	v2 =	vsel vm14, $0x3F, v2;
	v63 =	vsel vm15, $0x3F, v3  }
0xe0: {  	v2 =	vsel vm15, v3, v2;
	[tilespmem:s22+$0x8400] =	vst v63;
	v3 =	vpop (erf)  }
0xe1: {  	p0 =	por p1, p1;
	s19 =	simm.s32 $0x2;
	s17 =	simm.s32 $0x1;
	[tilespmem:s22+$0x8480] =	vst v2;
	v2 =	vmul.f32 v3, v1;
	v1 =	vmul.f32 v3, v4  }
.LBB2_3:
0xe2: {  	s21 =	sshll.u32 s17, $0x7  }
0xe3: {  	s16 =	sadd.s32 $0x10, s16;
	s20 =	smov.u32 s19;
	s18 =	sadd.s32 $0x1, s19  }
0xe4: {  	p1 =	sne.s32 s19, $0x1F;
	s19 =	sand.u32 $0x70, s16;
	s21 =	sand.u32 $0x3FFFFC00, s21;
	[tilespmem:s22+$0x8000] =	vst v2  }
0xe5: {  	s21 =	sor.u32 s19, s21;
	[tilespmem:s22+$0x8080] =	vst v1  }
0xe6: {  	v1 =	vld [tilespmem:s21+$0x0]  }
0xe7: {  	v2 =	vld [tilespmem:s21+$0x80];
	_ =	sdelay $0x2  }
0xe8: {  	v3 =	vld [tilespmem:s21+$0x100];
	_ =	sdelay $0x1  }
0xe9: {  	vm0 =	vgt.f32 v2, v1;
	vm1 =	vgt.f32 v2, $-1.000000000e+00  }
0xea: {  	vm2 =	vmneg vm0;
	v4 =	vnsel vm1, $0xBF800000, v2;
	v5 =	vsel vm0, $0x1, v0;
	v6 =	vld [tilespmem:s21+$0x180]  }
0xeb: {  	v4 =	vsel vm2, v4, v1;
	vm0 =	vmand vm2, vm1;
	v1 =	vsel vm2, v1, v2  }
0xec: {  	v2 =	vsel vm0, $0x1, v0;
	vm0 =	vgt.f32 v3, v1;
	vm1 =	vgt.f32 v3, v4  }
0xed: {  	v4 =	vsel vm1, v3, v4;
	v2 =	vsel vm1, $0x2, v2;
	v3 =	vsel vm0, v3, v1;
	v7 =	vld [tilespmem:s21+$0x200]  }
0xee: {  	v1 =	vsel vm0, v1, v4;
	v2 =	vsel vm0, v5, v2;
	v4 =	vsel vm0, $0x2, v5  }
0xef: {  	vm0 =	vgt.f32 v6, v3;
	vm1 =	vgt.f32 v6, v1  }
0xf0: {  	v1 =	vsel vm1, v6, v1;
	v2 =	vsel vm1, $0x3, v2;
	v5 =	vsel vm0, v6, v3;
	v6 =	vld [tilespmem:s21+$0x280]  }
0xf1: {  	v1 =	vsel vm0, v3, v1;
	v2 =	vsel vm0, v4, v2  }
0xf2: {  	v3 =	vsel vm0, $0x3, v4;
	vm0 =	vgt.f32 v7, v5;
	vm1 =	vgt.f32 v7, v1  }
0xf3: {  	v1 =	vsel vm1, v7, v1;
	v4 =	vsel vm0, v7, v5;
	v7 =	vsel vm0, $0x4, v3;
	v8 =	vld [tilespmem:s21+$0x300]  }
0xf4: {  	v2 =	vsel vm1, $0x4, v2;
	v1 =	vsel vm0, v5, v1  }
0xf5: {  	v2 =	vsel vm0, v3, v2;
	vm0 =	vgt.f32 v6, v4;
	vm1 =	vgt.f32 v6, v1  }
0xf6: {  	v1 =	vsel vm1, v6, v1;
	v2 =	vsel vm1, $0x5, v2;
	v3 =	vsel vm0, v6, v4;
	v5 =	vld [tilespmem:s21+$0x380]  }
0xf7: {  	v1 =	vsel vm0, v4, v1;
	v2 =	vsel vm0, v7, v2  }
0xf8: {  	v4 =	vsel vm0, $0x5, v7;
	vm0 =	vgt.f32 v8, v3;
	vm1 =	vgt.f32 v8, v1  }
0xf9: {  	v1 =	vsel vm1, v8, v1;
	v2 =	vsel vm1, $0x6, v2;
	v6 =	vsel vm0, v8, v3;
	v7 =	vld [tilespmem:s21+$0x1000]  }
0xfa: {  	v1 =	vsel vm0, v3, v1;
	v2 =	vsel vm0, v4, v2  }
0xfb: {  	vm1 =	vgt.f32 v5, v6;
	vm2 =	vgt.f32 v5, v1  }
0xfc: {  	v1 =	vsel vm2, v5, v1;
	v2 =	vsel vm2, $0x7, v2;
	v3 =	vsel vm1, v5, v6;
	v5 =	vld [tilespmem:s21+$0x1080]  }
0xfd: {  	v4 =	vsel vm0, $0x6, v4;
	v1 =	vsel vm1, v6, v1  }
0xfe: {  	v2 =	vsel vm1, v4, v2;
	vm0 =	vgt.f32 v7, v3;
	vm2 =	vgt.f32 v7, v1  }
0xff: {  	v4 =	vsel vm1, $0x7, v4;
	v1 =	vsel vm2, v7, v1;
	v2 =	vsel vm2, $0x8, v2;
	v6 =	vld [tilespmem:s21+$0x1100]  }
0x100: {  	v1 =	vsel vm0, v3, v1;
	v2 =	vsel vm0, v4, v2;
	v3 =	vsel vm0, v7, v3  }
0x101: {  	v4 =	vsel vm0, $0x8, v4;
	vm0 =	vgt.f32 v5, v3;
	vm1 =	vgt.f32 v5, v1  }
0x102: {  	v1 =	vsel vm1, v5, v1;
	v2 =	vsel vm1, $0x9, v2;
	v7 =	vsel vm0, $0x9, v4;
	v8 =	vld [tilespmem:s21+$0x1180]  }
0x103: {  	v1 =	vsel vm0, v3, v1;
	v2 =	vsel vm0, v4, v2;
	v3 =	vsel vm0, v5, v3  }
0x104: {  	vm0 =	vgt.f32 v6, v3;
	vm1 =	vgt.f32 v6, v1  }
0x105: {  	v1 =	vsel vm1, v6, v1;
	v2 =	vsel vm1, $0xA, v2;
	v4 =	vsel vm0, v6, v3;
	v5 =	vld [tilespmem:s21+$0x1200]  }
0x106: {  	v1 =	vsel vm0, v3, v1;
	v2 =	vsel vm0, v7, v2;
	v3 =	vsel vm0, $0xA, v7  }
0x107: {  	vm0 =	vgt.f32 v8, v4;
	vm1 =	vgt.f32 v8, v1  }
0x108: {  	v1 =	vsel vm1, v8, v1;
	v2 =	vsel vm1, $0xB, v2;
	v6 =	vsel vm0, v8, v4;
	v7 =	vld [tilespmem:s21+$0x1280]  }
0x109: {  	v1 =	vsel vm0, v4, v1;
	v2 =	vsel vm0, v3, v2  }
0x10a: {  	vm1 =	vgt.f32 v5, v6;
	vm2 =	vgt.f32 v5, v1  }
0x10b: {  	v3 =	vsel vm0, $0xB, v3;
	v1 =	vsel vm2, v5, v1;
	v2 =	vsel vm2, $0xC, v2;
	v4 =	vld [tilespmem:s21+$0x1300]  }
0x10c: {  	v5 =	vsel vm1, v5, v6;
	v1 =	vsel vm1, v6, v1;
	v6 =	vsel vm1, $0xC, v3  }
0x10d: {  	v2 =	vsel vm1, v3, v2;
	vm0 =	vgt.f32 v7, v5;
	vm1 =	vgt.f32 v7, v1  }
0x10e: {  	v1 =	vsel vm1, v7, v1;
	v2 =	vsel vm1, $0xD, v2;
	v3 =	vsel vm0, v7, v5;
	v7 =	vld [tilespmem:s21+$0x1380]  }
0x10f: {  	v1 =	vsel vm0, v5, v1;
	v2 =	vsel vm0, v6, v2  }
0x110: {  	v5 =	vsel vm0, $0xD, v6;
	vm0 =	vgt.f32 v4, v3;
	vm1 =	vgt.f32 v4, v1  }
0x111: {  	v1 =	vsel vm1, v4, v1;
	v4 =	vsel vm0, v4, v3;
	v6 =	vsel vm0, $0xE, v5;
	v8 =	vld [tilespmem:s21+$0x2000]  }
0x112: {  	v2 =	vsel vm1, $0xE, v2;
	v1 =	vsel vm0, v3, v1  }
0x113: {  	v2 =	vsel vm0, v5, v2;
	vm0 =	vgt.f32 v7, v4;
	vm1 =	vgt.f32 v7, v1  }
0x114: {  	v1 =	vsel vm1, v7, v1;
	v2 =	vsel vm1, $0xF, v2;
	v3 =	vsel vm0, v7, v4;
	v5 =	vld [tilespmem:s21+$0x2080]  }
0x115: {  	v1 =	vsel vm0, v4, v1;
	v2 =	vsel vm0, v6, v2  }
0x116: {  	vm1 =	vgt.f32 v8, v3;
	vm2 =	vgt.f32 v8, v1  }
0x117: {  	v4 =	vsel vm0, $0xF, v6;
	v1 =	vsel vm2, v8, v1;
	v2 =	vsel vm2, $0x10, v2;
	v6 =	vld [tilespmem:s21+$0x2100]  }
0x118: {  	v1 =	vsel vm1, v3, v1;
	v2 =	vsel vm1, v4, v2;
	v3 =	vsel vm1, v8, v3  }
0x119: {  	vm0 =	vgt.f32 v5, v3;
	vm2 =	vgt.f32 v5, v1  }
0x11a: {  	v4 =	vsel vm1, $0x10, v4;
	v1 =	vsel vm2, v5, v1;
	v2 =	vsel vm2, $0x11, v2;
	v7 =	vld [tilespmem:s21+$0x2180]  }
0x11b: {  	v1 =	vsel vm0, v3, v1;
	v3 =	vsel vm0, v5, v3;
	v5 =	vsel vm0, $0x11, v4  }
0x11c: {  	v2 =	vsel vm0, v4, v2;
	vm0 =	vgt.f32 v6, v3;
	vm1 =	vgt.f32 v6, v1  }
0x11d: {  	v1 =	vsel vm1, v6, v1;
	v2 =	vsel vm1, $0x12, v2;
	v4 =	vsel vm0, v6, v3;
	v6 =	vld [tilespmem:s21+$0x2200]  }
0x11e: {  	v1 =	vsel vm0, v3, v1;
	v2 =	vsel vm0, v5, v2  }
0x11f: {  	v3 =	vsel vm0, $0x12, v5;
	vm0 =	vgt.f32 v7, v4;
	vm1 =	vgt.f32 v7, v1  }
0x120: {  	v1 =	vsel vm1, v7, v1;
	v2 =	vsel vm1, $0x13, v2;
	v5 =	vsel vm0, v7, v4;
	v7 =	vld [tilespmem:s21+$0x2280]  }
0x121: {  	v1 =	vsel vm0, v4, v1;
	v2 =	vsel vm0, v3, v2  }
0x122: {  	vm1 =	vgt.f32 v6, v5;
	vm2 =	vgt.f32 v6, v1  }
0x123: {  	v3 =	vsel vm0, $0x13, v3;
	v1 =	vsel vm2, v6, v1;
	v2 =	vsel vm2, $0x14, v2;
	v4 =	vld [tilespmem:s21+$0x2300]  }
0x124: {  	v1 =	vsel vm1, v5, v1;
	v2 =	vsel vm1, v3, v2;
	v5 =	vsel vm1, v6, v5  }
0x125: {  	vm0 =	vgt.f32 v7, v5;
	vm2 =	vgt.f32 v7, v1  }
0x126: {  	v3 =	vsel vm1, $0x14, v3;
	v1 =	vsel vm2, v7, v1;
	v6 =	vsel vm0, v7, v5;
	v7 =	vld [tilespmem:s21+$0x2380]  }
0x127: {  	v2 =	vsel vm2, $0x15, v2;
	v1 =	vsel vm0, v5, v1;
	v5 =	vsel vm0, $0x15, v3  }
0x128: {  	v2 =	vsel vm0, v3, v2;
	vm0 =	vgt.f32 v4, v6;
	vm1 =	vgt.f32 v4, v1  }
0x129: {  	v1 =	vsel vm1, v4, v1;
	v2 =	vsel vm1, $0x16, v2;
	v3 =	vsel vm0, v4, v6;
	v4 =	vld [tilespmem:s21+$0x3000]  }
0x12a: {  	v1 =	vsel vm0, v6, v1;
	v2 =	vsel vm0, v5, v2;
	v5 =	vsel vm0, $0x16, v5  }
0x12b: {  	vm0 =	vgt.f32 v7, v3;
	vm1 =	vgt.f32 v7, v1  }
0x12c: {  	v1 =	vsel vm1, v7, v1;
	v2 =	vsel vm1, $0x17, v2;
	v6 =	vsel vm0, v7, v3;
	v7 =	vld [tilespmem:s21+$0x3080]  }
0x12d: {  	v1 =	vsel vm0, v3, v1;
	v2 =	vsel vm0, v5, v2;
	v3 =	vsel vm0, $0x17, v5  }
0x12e: {  	vm0 =	vgt.f32 v4, v6;
	vm1 =	vgt.f32 v4, v1  }
0x12f: {  	v1 =	vsel vm1, v4, v1;
	v2 =	vsel vm1, $0x18, v2;
	v5 =	vsel vm0, $0x18, v3;
	v8 =	vld [tilespmem:s21+$0x3100]  }
0x130: {  	v1 =	vsel vm0, v6, v1;
	v2 =	vsel vm0, v3, v2;
	v3 =	vsel vm0, v4, v6  }
0x131: {  	vm0 =	vgt.f32 v7, v3;
	vm1 =	vgt.f32 v7, v1  }
0x132: {  	v1 =	vsel vm1, v7, v1;
	v2 =	vsel vm1, $0x19, v2;
	v4 =	vld [tilespmem:s21+$0x3180]  }
0x133: {  	v1 =	vsel vm0, v3, v1;
	v2 =	vsel vm0, v5, v2;
	v3 =	vsel vm0, v7, v3  }
0x134: {  	v5 =	vsel vm0, $0x19, v5;
	vm0 =	vgt.f32 v8, v3;
	vm1 =	vgt.f32 v8, v1  }
0x135: {  	v1 =	vsel vm1, v8, v1;
	v2 =	vsel vm1, $0x1A, v2;
	v6 =	vsel vm0, v8, v3;
	v7 =	vld [tilespmem:s21+$0x3200]  }
0x136: {  	v1 =	vsel vm0, v3, v1;
	v2 =	vsel vm0, v5, v2  }
0x137: {  	vm1 =	vgt.f32 v4, v6;
	vm2 =	vgt.f32 v4, v1  }
0x138: {  	v3 =	vsel vm0, $0x1A, v5;
	v1 =	vsel vm2, v4, v1;
	v2 =	vsel vm2, $0x1B, v2;
	v5 =	vld [tilespmem:s21+$0x3280]  }
0x139: {  	v4 =	vsel vm1, v4, v6;
	v1 =	vsel vm1, v6, v1;
	v2 =	vsel vm1, v3, v2  }
0x13a: {  	vm0 =	vgt.f32 v7, v4;
	vm2 =	vgt.f32 v7, v1  }
0x13b: {  	v3 =	vsel vm1, $0x1B, v3;
	v1 =	vsel vm2, v7, v1;
	v2 =	vsel vm2, $0x1C, v2;
	v6 =	vld [tilespmem:s21+$0x3300]  }
0x13c: {  	v1 =	vsel vm0, v4, v1;
	v2 =	vsel vm0, v3, v2;
	v4 =	vsel vm0, v7, v4  }
0x13d: {  	v3 =	vsel vm0, $0x1C, v3;
	vm0 =	vgt.f32 v5, v4;
	vm1 =	vgt.f32 v5, v1  }
0x13e: {  	v1 =	vsel vm1, v5, v1;
	v2 =	vsel vm1, $0x1D, v2;
	v7 =	vsel vm0, $0x1D, v3;
	v8 =	vld [tilespmem:s21+$0x3380]  }
0x13f: {  	v1 =	vsel vm0, v4, v1;
	v2 =	vsel vm0, v3, v2;
	v3 =	vsel vm0, v5, v4  }
0x140: {  	vm0 =	vgt.f32 v6, v3;
	vm1 =	vgt.f32 v6, v1  }
0x141: {  	v1 =	vsel vm1, v6, v1;
	v2 =	vsel vm1, $0x1E, v2;
	v4 =	vsel vm0, $0x1E, v7;
	v5 =	vld [tilespmem:s21+$0x4000]  }
0x142: {  	v1 =	vsel vm0, v3, v1;
	v2 =	vsel vm0, v7, v2;
	v3 =	vsel vm0, v6, v3  }
0x143: {  	vm0 =	vgt.f32 v8, v3;
	vm1 =	vgt.f32 v8, v1  }
0x144: {  	v1 =	vsel vm1, v8, v1;
	v2 =	vsel vm1, $0x1F, v2;
	v6 =	vld [tilespmem:s21+$0x4080]  }
0x145: {  	v1 =	vsel vm0, v3, v1;
	v2 =	vsel vm0, v4, v2;
	v3 =	vsel vm0, v8, v3  }
0x146: {  	vm1 =	vgt.f32 v5, v3;
	vm2 =	vgt.f32 v5, v1  }
0x147: {  	v4 =	vsel vm0, $0x1F, v4;
	v1 =	vsel vm2, v5, v1;
	v2 =	vsel vm2, $0x20, v2;
	v7 =	vld [tilespmem:s21+$0x4100]  }
0x148: {  	v1 =	vsel vm1, v3, v1;
	v2 =	vsel vm1, v4, v2;
	v3 =	vsel vm1, v5, v3  }
0x149: {  	vm0 =	vgt.f32 v6, v3;
	vm2 =	vgt.f32 v6, v1  }
0x14a: {  	v4 =	vsel vm1, $0x20, v4;
	v1 =	vsel vm2, v6, v1;
	v2 =	vsel vm2, $0x21, v2;
	v5 =	vld [tilespmem:s21+$0x4180]  }
0x14b: {  	v1 =	vsel vm0, v3, v1;
	v2 =	vsel vm0, v4, v2;
	v3 =	vsel vm0, v6, v3  }
0x14c: {  	v4 =	vsel vm0, $0x21, v4;
	vm0 =	vgt.f32 v7, v3;
	vm1 =	vgt.f32 v7, v1  }
0x14d: {  	v1 =	vsel vm1, v7, v1;
	v2 =	vsel vm1, $0x22, v2;
	v6 =	vsel vm0, v7, v3;
	v7 =	vld [tilespmem:s21+$0x4200]  }
0x14e: {  	v1 =	vsel vm0, v3, v1;
	v2 =	vsel vm0, v4, v2  }
0x14f: {  	v3 =	vsel vm0, $0x22, v4;
	vm0 =	vgt.f32 v5, v6;
	vm1 =	vgt.f32 v5, v1  }
0x150: {  	v1 =	vsel vm1, v5, v1;
	v2 =	vsel vm1, $0x23, v2;
	v4 =	vsel vm0, v5, v6;
	v5 =	vld [tilespmem:s21+$0x4280]  }
0x151: {  	v1 =	vsel vm0, v6, v1;
	v2 =	vsel vm0, v3, v2  }
0x152: {  	vm1 =	vgt.f32 v7, v4;
	vm2 =	vgt.f32 v7, v1  }
0x153: {  	v3 =	vsel vm0, $0x23, v3;
	v1 =	vsel vm2, v7, v1;
	v2 =	vsel vm2, $0x24, v2;
	v6 =	vld [tilespmem:s21+$0x4300]  }
0x154: {  	v1 =	vsel vm1, v4, v1;
	v2 =	vsel vm1, v3, v2;
	v4 =	vsel vm1, v7, v4  }
0x155: {  	v3 =	vsel vm1, $0x24, v3;
	vm0 =	vgt.f32 v5, v4;
	vm1 =	vgt.f32 v5, v1  }
0x156: {  	v1 =	vsel vm1, v5, v1;
	v2 =	vsel vm1, $0x25, v2;
	v5 =	vsel vm0, v5, v4;
	v7 =	vld [tilespmem:s21+$0x4380]  }
0x157: {  	v1 =	vsel vm0, v4, v1;
	v2 =	vsel vm0, v3, v2;
	v3 =	vsel vm0, $0x25, v3  }
0x158: {  	vm0 =	vgt.f32 v6, v5;
	vm1 =	vgt.f32 v6, v1  }
0x159: {  	v1 =	vsel vm1, v6, v1;
	v2 =	vsel vm1, $0x26, v2;
	v4 =	vsel vm0, v6, v5;
	v6 =	vld [tilespmem:s21+$0x5000]  }
0x15a: {  	v1 =	vsel vm0, v5, v1;
	v2 =	vsel vm0, v3, v2;
	v3 =	vsel vm0, $0x26, v3  }
0x15b: {  	vm0 =	vgt.f32 v7, v4;
	vm1 =	vgt.f32 v7, v1  }
0x15c: {  	v1 =	vsel vm1, v7, v1;
	v2 =	vsel vm1, $0x27, v2;
	v5 =	vld [tilespmem:s21+$0x5080]  }
0x15d: {  	v1 =	vsel vm0, v4, v1;
	v2 =	vsel vm0, v3, v2;
	v4 =	vsel vm0, v7, v4  }
0x15e: {  	vm1 =	vgt.f32 v6, v4;
	vm2 =	vgt.f32 v6, v1  }
0x15f: {  	v3 =	vsel vm0, $0x27, v3;
	v1 =	vsel vm2, v6, v1;
	v2 =	vsel vm2, $0x28, v2;
	v7 =	vld [tilespmem:s21+$0x5100]  }
0x160: {  	v1 =	vsel vm1, v4, v1;
	v2 =	vsel vm1, v3, v2;
	v4 =	vsel vm1, v6, v4  }
0x161: {  	vm0 =	vgt.f32 v5, v4;
	vm2 =	vgt.f32 v5, v1  }
0x162: {  	v3 =	vsel vm1, $0x28, v3;
	v1 =	vsel vm2, v5, v1;
	v2 =	vsel vm2, $0x29, v2;
	v6 =	vld [tilespmem:s21+$0x5180]  }
0x163: {  	v1 =	vsel vm0, v4, v1;
	v2 =	vsel vm0, v3, v2;
	v4 =	vsel vm0, v5, v4  }
0x164: {  	v3 =	vsel vm0, $0x29, v3;
	vm0 =	vgt.f32 v7, v4;
	vm1 =	vgt.f32 v7, v1  }
0x165: {  	v1 =	vsel vm1, v7, v1;
	v2 =	vsel vm1, $0x2A, v2;
	v5 =	vsel vm0, $0x2A, v3;
	v8 =	vld [tilespmem:s21+$0x5200]  }
0x166: {  	v1 =	vsel vm0, v4, v1;
	v2 =	vsel vm0, v3, v2;
	v3 =	vsel vm0, v7, v4  }
0x167: {  	vm0 =	vgt.f32 v6, v3;
	vm1 =	vgt.f32 v6, v1  }
0x168: {  	v1 =	vsel vm1, v6, v1;
	v2 =	vsel vm1, $0x2B, v2;
	v4 =	vld [tilespmem:s21+$0x5280]  }
0x169: {  	v1 =	vsel vm0, v3, v1;
	v2 =	vsel vm0, v5, v2;
	v3 =	vsel vm0, v6, v3  }
0x16a: {  	v5 =	vsel vm0, $0x2B, v5;
	vm0 =	vgt.f32 v8, v1;
	v6 =	vld [tilespmem:s21+$0x5300]  }
0x16b: {  	vm1 =	vgt.f32 v8, v3;
	v1 =	vsel vm0, v8, v1;
	v2 =	vsel vm0, $0x2C, v2  }
0x16c: {  	v1 =	vsel vm1, v3, v1;
	v2 =	vsel vm1, v5, v2;
	v3 =	vsel vm1, v8, v3  }
0x16d: {  	v5 =	vsel vm1, $0x2C, v5;
	vm0 =	vgt.f32 v4, v3;
	vm1 =	vgt.f32 v4, v1  }
0x16e: {  	v1 =	vsel vm1, v4, v1;
	v2 =	vsel vm1, $0x2D, v2;
	v4 =	vsel vm0, v4, v3;
	v7 =	vld [tilespmem:s21+$0x5380]  }
0x16f: {  	v1 =	vsel vm0, v3, v1;
	v2 =	vsel vm0, v5, v2;
	vm1 =	vgt.f32 v6, v4  }
0x170: {  	v3 =	vsel vm0, $0x2D, v5;
	vm0 =	vgt.f32 v6, v1;
	v5 =	vsel vm1, v6, v4  }
0x171: {  	v1 =	vsel vm0, v6, v1;
	v2 =	vsel vm0, $0x2E, v2;
	v6 =	vld [tilespmem:s21+$0x6000]  }
0x172: {  	v1 =	vsel vm1, v4, v1;
	v2 =	vsel vm1, v3, v2  }
0x173: {  	vm0 =	vgt.f32 v7, v1  }
0x174: {  	vm2 =	vgt.f32 v7, v5;
	v1 =	vsel vm0, v7, v1;
	v2 =	vsel vm0, $0x2F, v2;
	v4 =	vld [tilespmem:s21+$0x6080]  }
0x175: {  	v3 =	vsel vm1, $0x2E, v3;
	v1 =	vsel vm2, v5, v1;
	v5 =	vsel vm2, v7, v5  }
0x176: {  	v2 =	vsel vm2, v3, v2;
	v3 =	vsel vm2, $0x2F, v3;
	vm0 =	vgt.f32 v6, v1  }
0x177: {  	vm1 =	vgt.f32 v6, v5;
	v1 =	vsel vm0, v6, v1;
	v2 =	vsel vm0, $0x30, v2;
	v7 =	vld [tilespmem:s21+$0x6100]  }
0x178: {  	v1 =	vsel vm1, v5, v1;
	v2 =	vsel vm1, v3, v2;
	v5 =	vsel vm1, v6, v5  }
0x179: {  	v3 =	vsel vm1, $0x30, v3;
	vm0 =	vgt.f32 v4, v1  }
0x17a: {  	vm1 =	vgt.f32 v4, v5;
	v1 =	vsel vm0, v4, v1;
	v2 =	vsel vm0, $0x31, v2;
	v6 =	vld [tilespmem:s21+$0x6180]  }
0x17b: {  	v4 =	vsel vm1, v4, v5;
	v1 =	vsel vm1, v5, v1;
	v2 =	vsel vm1, v3, v2  }
0x17c: {  	v3 =	vsel vm1, $0x31, v3;
	vm0 =	vgt.f32 v7, v1  }
0x17d: {  	vm1 =	vgt.f32 v7, v4;
	v1 =	vsel vm0, v7, v1;
	v2 =	vsel vm0, $0x32, v2;
	v5 =	vld [tilespmem:s21+$0x6200]  }
0x17e: {  	v1 =	vsel vm1, v4, v1;
	v2 =	vsel vm1, v3, v2;
	v4 =	vsel vm1, v7, v4  }
0x17f: {  	v3 =	vsel vm1, $0x32, v3;
	vm0 =	vgt.f32 v6, v1  }
0x180: {  	vm1 =	vgt.f32 v6, v4;
	v1 =	vsel vm0, v6, v1;
	v2 =	vsel vm0, $0x33, v2;
	v7 =	vld [tilespmem:s21+$0x6280]  }
0x181: {  	v1 =	vsel vm1, v4, v1;
	v2 =	vsel vm1, v3, v2;
	v4 =	vsel vm1, v6, v4  }
0x182: {  	v3 =	vsel vm1, $0x33, v3;
	vm0 =	vgt.f32 v5, v1  }
0x183: {  	vm1 =	vgt.f32 v5, v4;
	v1 =	vsel vm0, v5, v1;
	v2 =	vsel vm0, $0x34, v2;
	v6 =	vld [tilespmem:s21+$0x6300]  }
0x184: {  	v1 =	vsel vm1, v4, v1;
	v2 =	vsel vm1, v3, v2;
	v4 =	vsel vm1, v5, v4  }
0x185: {  	v3 =	vsel vm1, $0x34, v3;
	vm0 =	vgt.f32 v7, v1  }
0x186: {  	vm1 =	vgt.f32 v7, v4;
	v1 =	vsel vm0, v7, v1;
	v2 =	vsel vm0, $0x35, v2;
	v5 =	vld [tilespmem:s21+$0x6380]  }
0x187: {  	v1 =	vsel vm1, v4, v1;
	v2 =	vsel vm1, v3, v2;
	v4 =	vsel vm1, v7, v4  }
0x188: {  	v3 =	vsel vm1, $0x35, v3;
	vm0 =	vgt.f32 v6, v1  }
0x189: {  	vm1 =	vgt.f32 v6, v4;
	v1 =	vsel vm0, v6, v1;
	v2 =	vsel vm0, $0x36, v2;
	v7 =	vld [tilespmem:s21+$0x7000]  }
0x18a: {  	v1 =	vsel vm1, v4, v1;
	v2 =	vsel vm1, v3, v2;
	v4 =	vsel vm1, v6, v4  }
0x18b: {  	v3 =	vsel vm1, $0x36, v3;
	vm0 =	vgt.f32 v5, v1  }
0x18c: {  	vm1 =	vgt.f32 v5, v4;
	v1 =	vsel vm0, v5, v1;
	v2 =	vsel vm0, $0x37, v2;
	v6 =	vld [tilespmem:s21+$0x7080]  }
0x18d: {  	v1 =	vsel vm1, v4, v1;
	v2 =	vsel vm1, v3, v2;
	v4 =	vsel vm1, v5, v4  }
0x18e: {  	v3 =	vsel vm1, $0x37, v3;
	vm0 =	vgt.f32 v7, v1  }
0x18f: {  	vm1 =	vgt.f32 v7, v4;
	v1 =	vsel vm0, v7, v1;
	v2 =	vsel vm0, $0x38, v2;
	v5 =	vld [tilespmem:s21+$0x7100]  }
0x190: {  	v1 =	vsel vm1, v4, v1;
	v2 =	vsel vm1, v3, v2;
	v4 =	vsel vm1, v7, v4  }
0x191: {  	v3 =	vsel vm1, $0x38, v3;
	vm0 =	vgt.f32 v6, v1  }
0x192: {  	vm1 =	vgt.f32 v6, v4;
	v1 =	vsel vm0, v6, v1;
	v2 =	vsel vm0, $0x39, v2;
	v7 =	vld [tilespmem:s21+$0x7180]  }
0x193: {  	v1 =	vsel vm1, v4, v1;
	v2 =	vsel vm1, v3, v2;
	v4 =	vsel vm1, v6, v4  }
0x194: {  	v3 =	vsel vm1, $0x39, v3;
	vm0 =	vgt.f32 v5, v1  }
0x195: {  	vm1 =	vgt.f32 v5, v4;
	v1 =	vsel vm0, v5, v1;
	v2 =	vsel vm0, $0x3A, v2;
	v6 =	vld [tilespmem:s21+$0x7200]  }
0x196: {  	v1 =	vsel vm1, v4, v1;
	v2 =	vsel vm1, v3, v2;
	v4 =	vsel vm1, v5, v4  }
0x197: {  	v3 =	vsel vm1, $0x3A, v3;
	vm0 =	vgt.f32 v7, v1  }
0x198: {  	vm1 =	vgt.f32 v7, v4;
	v1 =	vsel vm0, v7, v1;
	v2 =	vsel vm0, $0x3B, v2;
	v5 =	vld [tilespmem:s21+$0x7280]  }
0x199: {  	v1 =	vsel vm1, v4, v1;
	v2 =	vsel vm1, v3, v2;
	v4 =	vsel vm1, v7, v4  }
0x19a: {  	v3 =	vsel vm1, $0x3B, v3;
	vm0 =	vgt.f32 v6, v1  }
0x19b: {  	vm1 =	vgt.f32 v6, v4;
	v1 =	vsel vm0, v6, v1;
	v2 =	vsel vm0, $0x3C, v2;
	v7 =	vld [tilespmem:s21+$0x7300]  }
0x19c: {  	v1 =	vsel vm1, v4, v1;
	v2 =	vsel vm1, v3, v2;
	v4 =	vsel vm1, v6, v4  }
0x19d: {  	vm0 =	vgt.f32 v5, v1  }
0x19e: {  	vm2 =	vgt.f32 v5, v4;
	v1 =	vsel vm0, v5, v1;
	v2 =	vsel vm0, $0x3D, v2;
	v6 =	vld [tilespmem:s21+$0x7380]  }
0x19f: {  	v3 =	vsel vm1, $0x3C, v3;
	v1 =	vsel vm2, v4, v1  }
0x1a0: {  	v2 =	vsel vm2, v3, v2;
	v4 =	vsel vm2, v5, v4;
	vm0 =	vgt.f32 v7, v1  }
0x1a1: {  	vm1 =	vgt.f32 v7, v4;
	v1 =	vsel vm0, v7, v1;
	v2 =	vsel vm0, $0x3E, v2  }
0x1a2: {  	v3 =	vsel vm2, $0x3D, v3;
	v1 =	vsel vm1, v4, v1  }
0x1a3: {  	v2 =	vsel vm1, v3, v2;
	v4 =	vsel vm1, v7, v4;
	vm0 =	vgt.f32 v6, v1  }
0x1a4: {  	s21 =	sshll.u32 s17, $0x5;
	s17 =	smov.u32 s20;
	vm2 =	vgt.f32 v6, v4;
	v1 =	vsel vm0, v6, v1;
	v2 =	vsel vm0, $0x3F, v2  }
0x1a5: {  	s20 =	sand.u32 $0xFFFFFF00, s21;
	v3 =	vsel vm1, $0x3E, v3;
	v1 =	vsel vm2, v4, v1;
	v4 =	vsel vm2, v6, v4  }
0x1a6: {  	s22 =	sor.u32 s19, s20;
	v2 =	vsel vm2, v3, v2;
	v3 =	vsel vm2, $0x3F, v3;
	v5 =	vadd.f32 v1, v4  }
0x1a7: {  	[tilespmem:s22+$0x8400] =	vst v3  }
0x1a8: {  	[tilespmem:s22+$0x8480] =	vst v2;
	(erf) = vrcp.f32 v5;
	_ =	sdelay $0x5  }
.Ltmp0:
0x1a9: {  	(pc) =	sbr.rel @p1 .LBB2_3-.Ltmp0, $3  }
0x1aa: {  	_ =	sdelay $0x1  }
0x1ab: {  	v3 =	vpop (erf)  }
0x1ac: {  	s19 =	smov.u32 s18;
	v2 =	vmul.f32 v3, v4;
	v1 =	vmul.f32 v3, v1  }
0x1ad: {  	s18 =	sshll.u32 s17, $0x7;
	s16 =	sadd.s32 $0x10, s16  }
0x1ae: {  	s16 =	sand.u32 $0x70, s16;
	s18 =	sand.u32 $0x3FFFFC00, s18;
	[tilespmem:s22+$0x8000] =	vst v2  }
0x1af: {  	[tilespmem:s22+$0x8080] =	vst v1;
	s18 =	sor.u32 s16, s18  }
0x1b0: {  	v1 =	vld [tilespmem:s18+$0x0]  }
0x1b1: {  	v2 =	vld [tilespmem:s18+$0x80];
	_ =	sdelay $0x2  }
0x1b2: {  	v3 =	vld [tilespmem:s18+$0x100];
	_ =	sdelay $0x1  }
0x1b3: {  	vm8 =	vgt.f32 v2, v1;
	vm9 =	vgt.f32 v2, $-1.000000000e+00  }
0x1b4: {  	v5 =	vld [tilespmem:s18+$0x180];
	vm10 =	vmneg vm8;
	v4 =	vnsel vm9, $0xBF800000, v2  }
0x1b5: {  	v4 =	vsel vm10, v4, v1  }
0x1b6: {  	v1 =	vsel vm10, v1, v2;
	vm0 =	vgt.f32 v3, v4  }
0x1b7: {  	v48 =	vld [tilespmem:s18+$0x200];
	vm1 =	vgt.f32 v3, v1;
	v2 =	vsel vm0, v3, v4  }
0x1b8: {  	v2 =	vsel vm1, v1, v2  }
0x1b9: {  	v1 =	vsel vm1, v3, v1;
	vm11 =	vgt.f32 v5, v2  }
0x1ba: {  	v3 =	vld [tilespmem:s18+$0x280];
	vm2 =	vgt.f32 v5, v1;
	v2 =	vsel vm11, v5, v2  }
0x1bb: {  	v2 =	vsel vm2, v1, v2  }
0x1bc: {  	v1 =	vsel vm2, v5, v1;
	vm12 =	vgt.f32 v48, v2  }
0x1bd: {  	v49 =	vld [tilespmem:s18+$0x300];
	vm3 =	vgt.f32 v48, v1;
	v2 =	vsel vm12, v48, v2  }
0x1be: {  	v2 =	vsel vm3, v1, v2  }
0x1bf: {  	v1 =	vsel vm3, v48, v1;
	vm13 =	vgt.f32 v3, v2  }
0x1c0: {  	v50 =	vld [tilespmem:s18+$0x380];
	vm4 =	vgt.f32 v3, v1;
	v2 =	vsel vm13, v3, v2  }
0x1c1: {  	v2 =	vsel vm4, v1, v2  }
0x1c2: {  	v1 =	vsel vm4, v3, v1;
	vm14 =	vgt.f32 v49, v2  }
0x1c3: {  	v3 =	vld [tilespmem:s18+$0x1000];
	vm5 =	vgt.f32 v49, v1;
	v2 =	vsel vm14, v49, v2  }
0x1c4: {  	v2 =	vsel vm5, v1, v2  }
0x1c5: {  	v1 =	vsel vm5, v49, v1;
	vm15 =	vgt.f32 v50, v2  }
0x1c6: {  	v51 =	vld [tilespmem:s18+$0x1080];
	vm6 =	vgt.f32 v50, v1;
	v2 =	vsel vm15, v50, v2  }
0x1c7: {  	v2 =	vsel vm6, v1, v2  }
0x1c8: {  	v52 =	vimm.s32 $0x0;
	v1 =	vsel vm6, v50, v1;
	vm7 =	vgt.f32 v3, v2  }
0x1c9: {  	v53 =	vld [tilespmem:s18+$0x1100];
	v4 =	vsel vm7, $0xFFFFFFFF, v52;
	v2 =	vsel vm7, v3, v2;
	vm7 =	vgt.f32 v3, v1  }
0x1ca: {  	v6 =	vsel vm8, $0x1, v0;
	vm8 =	vmand vm10, vm9;
	v2 =	vsel vm7, v1, v2  }
0x1cb: {  	v7 =	vsel vm8, $0x1, v0;
	v1 =	vsel vm7, v3, v1;
	vm9 =	vgt.f32 v51, v2  }
0x1cc: {  	v54 =	vld [tilespmem:s18+$0x1180];
	v3 =	vsel vm0, $0x2, v7;
	vm0 =	vgt.f32 v51, v1;
	v2 =	vsel vm9, v51, v2  }
0x1cd: {  	v2 =	vsel vm0, v1, v2  }
0x1ce: {  	v3 =	vsel vm1, v6, v3;
	v1 =	vsel vm0, v51, v1;
	vm10 =	vgt.f32 v53, v2  }
0x1cf: {  	v55 =	vld [tilespmem:s18+$0x1200];
	v6 =	vsel vm1, $0x2, v6;
	vm1 =	vgt.f32 v53, v1;
	v2 =	vsel vm10, v53, v2  }
0x1d0: {  	v3 =	vsel vm11, $0x3, v3;
	v2 =	vsel vm1, v1, v2  }
0x1d1: {  	v3 =	vsel vm2, v6, v3;
	v1 =	vsel vm1, v53, v1;
	vm11 =	vgt.f32 v54, v2  }
0x1d2: {  	v56 =	vld [tilespmem:s18+$0x1280];
	v6 =	vsel vm2, $0x3, v6;
	vm2 =	vgt.f32 v54, v1;
	v2 =	vsel vm11, v54, v2  }
0x1d3: {  	v3 =	vsel vm12, $0x4, v3;
	v2 =	vsel vm2, v1, v2  }
0x1d4: {  	v3 =	vsel vm3, v6, v3;
	v1 =	vsel vm2, v54, v1;
	vm12 =	vgt.f32 v55, v2  }
0x1d5: {  	v57 =	vld [tilespmem:s18+$0x1300];
	v6 =	vsel vm3, $0x4, v6;
	vm3 =	vgt.f32 v55, v1;
	v2 =	vsel vm12, v55, v2  }
0x1d6: {  	v3 =	vsel vm13, $0x5, v3;
	v2 =	vsel vm3, v1, v2  }
0x1d7: {  	v58 =	vld [tilespmem:s18+$0x1380];
	[tilespmem:$0x1FFA0] =	vst v4;
	v3 =	vsel vm4, v6, v3;
	v1 =	vsel vm3, v55, v1;
	vm13 =	vgt.f32 v56, v2  }
0x1d8: {  	v61 =	vld [tilespmem:$0x1FFA0];
	v6 =	vsel vm4, $0x5, v6;
	vm4 =	vgt.f32 v56, v1;
	v2 =	vsel vm13, v56, v2  }
0x1d9: {  	v3 =	vsel vm14, $0x6, v3;
	v59 =	vsel vm5, $0x6, v6;
	v2 =	vsel vm4, v1, v2  }
0x1da: {  	v3 =	vsel vm5, v6, v3;
	v1 =	vsel vm4, v56, v1;
	vm14 =	vgt.f32 v57, v2  }
0x1db: {  	v60 =	vld [tilespmem:s18+$0x2000];
	v3 =	vsel vm15, $0x7, v3;
	vm5 =	vgt.f32 v57, v1;
	v2 =	vsel vm14, v57, v2  }
0x1dc: {  	v4 =	vsel vm6, $0x7, v59;
	v3 =	vsel vm6, v59, v3;
	v2 =	vsel vm5, v1, v2  }
0x1dd: {  	vm6 =	vnez.u8 v61;
	v1 =	vsel vm5, v57, v1;
	vm15 =	vgt.f32 v58, v2  }
0x1de: {  	v62 =	vld [tilespmem:s18+$0x2080];
	v3 =	vsel vm6, $0x8, v3;
	vm6 =	vgt.f32 v58, v1;
	v2 =	vsel vm15, v58, v2  }
0x1df: {  	v3 =	vsel vm7, v4, v3;
	v2 =	vsel vm6, v1, v2  }
0x1e0: {  	v4 =	vsel vm7, $0x8, v4;
	v1 =	vsel vm6, v58, v1;
	vm8 =	vgt.f32 v60, v2  }
0x1e1: {  	v63 =	vld [tilespmem:s18+$0x2100];
	v3 =	vsel vm9, $0x9, v3;
	vm7 =	vgt.f32 v60, v1;
	v2 =	vsel vm8, v60, v2  }
0x1e2: {  	v3 =	vsel vm0, v4, v3;
	v2 =	vsel vm7, v1, v2  }
0x1e3: {  	v4 =	vsel vm0, $0x9, v4;
	v1 =	vsel vm7, v60, v1;
	vm9 =	vgt.f32 v62, v2  }
0x1e4: {  	v9 =	vld [tilespmem:s18+$0x2180];
	v3 =	vsel vm10, $0xA, v3;
	vm0 =	vgt.f32 v62, v1;
	v2 =	vsel vm9, v62, v2  }
0x1e5: {  	v3 =	vsel vm1, v4, v3;
	v2 =	vsel vm0, v1, v2  }
0x1e6: {  	v4 =	vsel vm1, $0xA, v4;
	v1 =	vsel vm0, v62, v1;
	vm10 =	vgt.f32 v63, v2  }
0x1e7: {  	v10 =	vld [tilespmem:s18+$0x2200];
	v3 =	vsel vm11, $0xB, v3;
	vm1 =	vgt.f32 v63, v1;
	v2 =	vsel vm10, v63, v2  }
0x1e8: {  	v3 =	vsel vm2, v4, v3;
	v2 =	vsel vm1, v1, v2  }
0x1e9: {  	v4 =	vsel vm2, $0xB, v4;
	v1 =	vsel vm1, v63, v1;
	vm11 =	vgt.f32 v9, v2  }
0x1ea: {  	v11 =	vld [tilespmem:s18+$0x2280];
	v3 =	vsel vm12, $0xC, v3;
	vm2 =	vgt.f32 v9, v1;
	v2 =	vsel vm11, v9, v2  }
0x1eb: {  	v3 =	vsel vm3, v4, v3;
	v2 =	vsel vm2, v1, v2  }
0x1ec: {  	v4 =	vsel vm3, $0xC, v4;
	v1 =	vsel vm2, v9, v1;
	vm12 =	vgt.f32 v10, v2  }
0x1ed: {  	v12 =	vld [tilespmem:s18+$0x2300];
	v3 =	vsel vm13, $0xD, v3;
	vm3 =	vgt.f32 v10, v1;
	v2 =	vsel vm12, v10, v2  }
0x1ee: {  	v3 =	vsel vm4, v4, v3;
	v2 =	vsel vm3, v1, v2  }
0x1ef: {  	v4 =	vsel vm4, $0xD, v4;
	v1 =	vsel vm3, v10, v1;
	vm13 =	vgt.f32 v11, v2  }
0x1f0: {  	v13 =	vld [tilespmem:s18+$0x2380];
	v3 =	vsel vm14, $0xE, v3;
	vm4 =	vgt.f32 v11, v1;
	v2 =	vsel vm13, v11, v2  }
0x1f1: {  	v3 =	vsel vm5, v4, v3;
	v2 =	vsel vm4, v1, v2  }
0x1f2: {  	v4 =	vsel vm5, $0xE, v4;
	v1 =	vsel vm4, v11, v1;
	vm14 =	vgt.f32 v12, v2  }
0x1f3: {  	v14 =	vld [tilespmem:s18+$0x3000];
	v3 =	vsel vm15, $0xF, v3;
	vm5 =	vgt.f32 v12, v1;
	v2 =	vsel vm14, v12, v2  }
0x1f4: {  	v3 =	vsel vm6, v4, v3;
	v2 =	vsel vm5, v1, v2  }
0x1f5: {  	v4 =	vsel vm6, $0xF, v4;
	v1 =	vsel vm5, v12, v1;
	vm15 =	vgt.f32 v13, v2  }
0x1f6: {  	v15 =	vld [tilespmem:s18+$0x3080];
	v3 =	vsel vm8, $0x10, v3;
	vm6 =	vgt.f32 v13, v1;
	v2 =	vsel vm15, v13, v2  }
0x1f7: {  	v3 =	vsel vm7, v4, v3;
	v2 =	vsel vm6, v1, v2  }
0x1f8: {  	v4 =	vsel vm7, $0x10, v4;
	v1 =	vsel vm6, v13, v1;
	vm8 =	vgt.f32 v14, v2  }
0x1f9: {  	v16 =	vld [tilespmem:s18+$0x3100];
	v3 =	vsel vm9, $0x11, v3;
	vm7 =	vgt.f32 v14, v1;
	v2 =	vsel vm8, v14, v2  }
0x1fa: {  	v3 =	vsel vm0, v4, v3;
	v2 =	vsel vm7, v1, v2  }
0x1fb: {  	v4 =	vsel vm0, $0x11, v4;
	v1 =	vsel vm7, v14, v1;
	vm9 =	vgt.f32 v15, v2  }
0x1fc: {  	v17 =	vld [tilespmem:s18+$0x3180];
	v3 =	vsel vm10, $0x12, v3;
	vm0 =	vgt.f32 v15, v1;
	v2 =	vsel vm9, v15, v2  }
0x1fd: {  	v3 =	vsel vm1, v4, v3;
	v2 =	vsel vm0, v1, v2  }
0x1fe: {  	v4 =	vsel vm1, $0x12, v4;
	v1 =	vsel vm0, v15, v1;
	vm10 =	vgt.f32 v16, v2  }
0x1ff: {  	v18 =	vld [tilespmem:s18+$0x3200];
	v3 =	vsel vm11, $0x13, v3;
	vm1 =	vgt.f32 v16, v1;
	v2 =	vsel vm10, v16, v2  }
0x200: {  	v3 =	vsel vm2, v4, v3;
	v2 =	vsel vm1, v1, v2  }
0x201: {  	v4 =	vsel vm2, $0x13, v4;
	v1 =	vsel vm1, v16, v1;
	vm11 =	vgt.f32 v17, v2  }
0x202: {  	v19 =	vld [tilespmem:s18+$0x3280];
	v3 =	vsel vm12, $0x14, v3;
	vm2 =	vgt.f32 v17, v1;
	v2 =	vsel vm11, v17, v2  }
0x203: {  	v3 =	vsel vm3, v4, v3;
	v2 =	vsel vm2, v1, v2  }
0x204: {  	v4 =	vsel vm3, $0x14, v4;
	v1 =	vsel vm2, v17, v1;
	vm12 =	vgt.f32 v18, v2  }
0x205: {  	v20 =	vld [tilespmem:s18+$0x3300];
	v3 =	vsel vm13, $0x15, v3;
	vm3 =	vgt.f32 v18, v1;
	v2 =	vsel vm12, v18, v2  }
0x206: {  	v3 =	vsel vm4, v4, v3;
	v2 =	vsel vm3, v1, v2  }
0x207: {  	v4 =	vsel vm4, $0x15, v4;
	v1 =	vsel vm3, v18, v1;
	vm13 =	vgt.f32 v19, v2  }
0x208: {  	v21 =	vld [tilespmem:s18+$0x3380];
	v3 =	vsel vm14, $0x16, v3;
	vm4 =	vgt.f32 v19, v1;
	v2 =	vsel vm13, v19, v2  }
0x209: {  	v3 =	vsel vm5, v4, v3;
	v2 =	vsel vm4, v1, v2  }
0x20a: {  	v4 =	vsel vm5, $0x16, v4;
	v1 =	vsel vm4, v19, v1;
	vm14 =	vgt.f32 v20, v2  }
0x20b: {  	v22 =	vld [tilespmem:s18+$0x4000];
	v3 =	vsel vm15, $0x17, v3;
	vm5 =	vgt.f32 v20, v1;
	v2 =	vsel vm14, v20, v2  }
0x20c: {  	v3 =	vsel vm6, v4, v3;
	v2 =	vsel vm5, v1, v2  }
0x20d: {  	v4 =	vsel vm6, $0x17, v4;
	v1 =	vsel vm5, v20, v1;
	vm15 =	vgt.f32 v21, v2  }
0x20e: {  	v23 =	vld [tilespmem:s18+$0x4080];
	v3 =	vsel vm8, $0x18, v3;
	vm6 =	vgt.f32 v21, v1;
	v2 =	vsel vm15, v21, v2  }
0x20f: {  	v3 =	vsel vm7, v4, v3;
	v2 =	vsel vm6, v1, v2  }
0x210: {  	v4 =	vsel vm7, $0x18, v4;
	v1 =	vsel vm6, v21, v1;
	vm8 =	vgt.f32 v22, v2  }
0x211: {  	v24 =	vld [tilespmem:s18+$0x4100];
	v3 =	vsel vm9, $0x19, v3;
	vm7 =	vgt.f32 v22, v1;
	v2 =	vsel vm8, v22, v2  }
0x212: {  	v3 =	vsel vm0, v4, v3;
	v2 =	vsel vm7, v1, v2  }
0x213: {  	v4 =	vsel vm0, $0x19, v4;
	v1 =	vsel vm7, v22, v1;
	vm9 =	vgt.f32 v23, v2  }
0x214: {  	v25 =	vld [tilespmem:s18+$0x4180];
	v3 =	vsel vm10, $0x1A, v3;
	vm0 =	vgt.f32 v23, v1;
	v2 =	vsel vm9, v23, v2  }
0x215: {  	v3 =	vsel vm1, v4, v3;
	v2 =	vsel vm0, v1, v2  }
0x216: {  	v4 =	vsel vm1, $0x1A, v4;
	v1 =	vsel vm0, v23, v1;
	vm10 =	vgt.f32 v24, v2  }
0x217: {  	v26 =	vld [tilespmem:s18+$0x4200];
	v3 =	vsel vm11, $0x1B, v3;
	vm1 =	vgt.f32 v24, v1;
	v2 =	vsel vm10, v24, v2  }
0x218: {  	v3 =	vsel vm2, v4, v3;
	v2 =	vsel vm1, v1, v2  }
0x219: {  	v4 =	vsel vm2, $0x1B, v4;
	v1 =	vsel vm1, v24, v1;
	vm11 =	vgt.f32 v25, v2  }
0x21a: {  	v27 =	vld [tilespmem:s18+$0x4280];
	v3 =	vsel vm12, $0x1C, v3;
	vm2 =	vgt.f32 v25, v1;
	v2 =	vsel vm11, v25, v2  }
0x21b: {  	v3 =	vsel vm3, v4, v3;
	v2 =	vsel vm2, v1, v2  }
0x21c: {  	v4 =	vsel vm3, $0x1C, v4;
	v1 =	vsel vm2, v25, v1;
	vm12 =	vgt.f32 v26, v2  }
0x21d: {  	v28 =	vld [tilespmem:s18+$0x4300];
	v3 =	vsel vm13, $0x1D, v3;
	vm3 =	vgt.f32 v26, v1;
	v2 =	vsel vm12, v26, v2  }
0x21e: {  	v3 =	vsel vm4, v4, v3;
	v2 =	vsel vm3, v1, v2  }
0x21f: {  	v4 =	vsel vm4, $0x1D, v4;
	v1 =	vsel vm3, v26, v1;
	vm13 =	vgt.f32 v27, v2  }
0x220: {  	v29 =	vld [tilespmem:s18+$0x4380];
	v3 =	vsel vm14, $0x1E, v3;
	vm4 =	vgt.f32 v27, v1;
	v2 =	vsel vm13, v27, v2  }
0x221: {  	v3 =	vsel vm5, v4, v3;
	v2 =	vsel vm4, v1, v2  }
0x222: {  	v4 =	vsel vm5, $0x1E, v4;
	v1 =	vsel vm4, v27, v1;
	vm14 =	vgt.f32 v28, v2  }
0x223: {  	v30 =	vld [tilespmem:s18+$0x5000];
	v3 =	vsel vm15, $0x1F, v3;
	vm5 =	vgt.f32 v28, v1;
	v2 =	vsel vm14, v28, v2  }
0x224: {  	v3 =	vsel vm6, v4, v3;
	v2 =	vsel vm5, v1, v2  }
0x225: {  	v4 =	vsel vm6, $0x1F, v4;
	v1 =	vsel vm5, v28, v1;
	vm15 =	vgt.f32 v29, v2  }
0x226: {  	v31 =	vld [tilespmem:s18+$0x5080];
	v3 =	vsel vm8, $0x20, v3;
	vm6 =	vgt.f32 v29, v1;
	v2 =	vsel vm15, v29, v2  }
0x227: {  	v32 =	vimm.s32 $0x0;
	v3 =	vsel vm7, v4, v3;
	v2 =	vsel vm6, v1, v2  }
0x228: {  	v4 =	vsel vm7, $0x20, v4;
	v1 =	vsel vm6, v29, v1;
	vm8 =	vgt.f32 v30, v2  }
0x229: {  	v33 =	vld [tilespmem:s18+$0x5100];
	v3 =	vsel vm9, $0x21, v3;
	vm7 =	vgt.f32 v30, v1;
	v2 =	vsel vm8, v30, v2  }
0x22a: {  	v3 =	vsel vm0, v4, v3;
	v4 =	vsel vm0, $0x21, v4;
	v2 =	vsel vm7, v1, v2  }
0x22b: {  	v3 =	vsel vm10, $0x22, v3;
	v1 =	vsel vm7, v30, v1;
	vm0 =	vgt.f32 v31, v2  }
0x22c: {  	v35 =	vld [tilespmem:s18+$0x5180];
	v5 =	vsel vm8, $0xFFFFFFFF, v32;
	vm8 =	vgt.f32 v31, v1;
	v2 =	vsel vm0, v31, v2  }
0x22d: {  	v3 =	vsel vm1, v4, v3;
	v2 =	vsel vm8, v1, v2  }
0x22e: {  	v4 =	vsel vm1, $0x22, v4;
	v1 =	vsel vm8, v31, v1;
	vm10 =	vgt.f32 v33, v2  }
0x22f: {  	v37 =	vld [tilespmem:s18+$0x5200];
	v3 =	vsel vm11, $0x23, v3;
	vm1 =	vgt.f32 v33, v1;
	v2 =	vsel vm10, v33, v2  }
0x230: {  	v34 =	vimm.s32 $0x0;
	v3 =	vsel vm2, v4, v3;
	v2 =	vsel vm1, v1, v2  }
0x231: {  	v4 =	vsel vm2, $0x23, v4;
	v1 =	vsel vm1, v33, v1;
	vm11 =	vgt.f32 v35, v2  }
0x232: {  	v38 =	vld [tilespmem:s18+$0x5280];
	v3 =	vsel vm12, $0x24, v3;
	vm2 =	vgt.f32 v35, v1;
	v2 =	vsel vm11, v35, v2  }
0x233: {  	v36 =	vimm.s32 $0x0;
	v3 =	vsel vm3, v4, v3;
	v2 =	vsel vm2, v1, v2  }
0x234: {  	v4 =	vsel vm3, $0x24, v4;
	v1 =	vsel vm2, v35, v1;
	vm12 =	vgt.f32 v37, v2  }
0x235: {  	v39 =	vld [tilespmem:s18+$0x5300];
	v3 =	vsel vm13, $0x25, v3;
	vm9 =	vgt.f32 v37, v1;
	v2 =	vsel vm12, v37, v2  }
0x236: {  	v3 =	vsel vm4, v4, v3;
	v4 =	vsel vm4, $0x25, v4;
	v2 =	vsel vm9, v1, v2  }
0x237: {  	v40 =	vld [tilespmem:s18+$0x5380];
	v3 =	vsel vm14, $0x26, v3;
	[tilespmem:$0x1FFB0] =	vst v5;
	v1 =	vsel vm9, v37, v1;
	vm13 =	vgt.f32 v38, v2  }
0x238: {  	v3 =	vsel vm5, v4, v3;
	v42 =	vld [tilespmem:$0x1FFB0];
	vm3 =	vgt.f32 v38, v1;
	v2 =	vsel vm13, v38, v2  }
0x239: {  	v4 =	vsel vm5, $0x26, v4;
	v6 =	vsel vm0, $0xFFFFFFFF, v34;
	v2 =	vsel vm3, v1, v2  }
0x23a: {  	v41 =	vld [tilespmem:s18+$0x6000];
	v3 =	vsel vm15, $0x27, v3;
	[tilespmem:$0x1FFC0] =	vst v6;
	v1 =	vsel vm3, v38, v1;
	vm14 =	vgt.f32 v39, v2  }
0x23b: {  	v3 =	vsel vm6, v4, v3;
	v44 =	vld [tilespmem:$0x1FFC0];
	vm0 =	vgt.f32 v39, v1;
	v2 =	vsel vm14, v39, v2  }
0x23c: {  	v4 =	vsel vm6, $0x27, v4;
	v7 =	vsel vm10, $0xFFFFFFFF, v36;
	v2 =	vsel vm0, v1, v2  }
0x23d: {  	v43 =	vld [tilespmem:s18+$0x6080];
	[tilespmem:$0x1FFD0] =	vst v7;
	vm15 =	vnez.u8 v42;
	v1 =	vsel vm0, v39, v1;
	vm10 =	vgt.f32 v40, v2  }
0x23e: {  	v3 =	vsel vm15, $0x28, v3;
	v46 =	vld [tilespmem:$0x1FFD0];
	vm4 =	vgt.f32 v40, v1;
	v2 =	vsel vm10, v40, v2  }
0x23f: {  	v3 =	vsel vm7, v4, v3;
	v4 =	vsel vm7, $0x28, v4;
	v2 =	vsel vm4, v1, v2  }
0x240: {  	vm5 =	vnez.u8 v44;
	v1 =	vsel vm4, v40, v1;
	vm15 =	vgt.f32 v41, v2  }
0x241: {  	v45 =	vld [tilespmem:s18+$0x6100];
	v3 =	vsel vm5, $0x29, v3;
	vm5 =	vgt.f32 v41, v1;
	v2 =	vsel vm15, v41, v2  }
0x242: {  	v3 =	vsel vm8, v4, v3;
	v4 =	vsel vm8, $0x29, v4;
	v2 =	vsel vm5, v1, v2  }
0x243: {  	vm6 =	vnez.u8 v46;
	v1 =	vsel vm5, v41, v1;
	vm8 =	vgt.f32 v43, v2  }
0x244: {  	v47 =	vld [tilespmem:s18+$0x6180];
	v3 =	vsel vm6, $0x2A, v3;
	vm6 =	vgt.f32 v43, v1;
	v2 =	vsel vm8, v43, v2  }
0x245: {  	v3 =	vsel vm1, v4, v3;
	v2 =	vsel vm6, v1, v2  }
0x246: {  	v4 =	vsel vm1, $0x2A, v4;
	v1 =	vsel vm6, v43, v1;
	vm7 =	vgt.f32 v45, v2  }
0x247: {  	v49 =	vld [tilespmem:s18+$0x6200];
	v3 =	vsel vm11, $0x2B, v3;
	vm1 =	vgt.f32 v45, v1;
	v2 =	vsel vm7, v45, v2  }
0x248: {  	v48 =	vimm.s32 $0x0;
	v3 =	vsel vm2, v4, v3;
	v2 =	vsel vm1, v1, v2  }
0x249: {  	v4 =	vsel vm2, $0x2B, v4;
	v1 =	vsel vm1, v45, v1;
	vm11 =	vgt.f32 v47, v2  }
0x24a: {  	v50 =	vld [tilespmem:s18+$0x6280];
	v3 =	vsel vm12, $0x2C, v3;
	vm2 =	vgt.f32 v47, v1;
	v2 =	vsel vm11, v47, v2  }
0x24b: {  	v3 =	vsel vm9, v4, v3;
	v4 =	vsel vm9, $0x2C, v4;
	v2 =	vsel vm2, v1, v2  }
0x24c: {  	v3 =	vsel vm13, $0x2D, v3;
	v1 =	vsel vm2, v47, v1;
	vm9 =	vgt.f32 v49, v2  }
0x24d: {  	v51 =	vld [tilespmem:s18+$0x6300];
	v6 =	vsel vm7, $0xFFFFFFFF, v48;
	vm7 =	vgt.f32 v49, v1;
	v2 =	vsel vm9, v49, v2  }
0x24e: {  	v3 =	vsel vm3, v4, v3;
	v2 =	vsel vm7, v1, v2  }
0x24f: {  	v4 =	vsel vm3, $0x2D, v4;
	v1 =	vsel vm7, v49, v1;
	vm12 =	vgt.f32 v50, v2  }
0x250: {  	v52 =	vld [tilespmem:s18+$0x6380];
	v3 =	vsel vm14, $0x2E, v3;
	vm3 =	vgt.f32 v50, v1;
	v2 =	vsel vm12, v50, v2  }
0x251: {  	v3 =	vsel vm0, v4, v3;
	v2 =	vsel vm3, v1, v2  }
0x252: {  	v4 =	vsel vm0, $0x2E, v4;
	v1 =	vsel vm3, v50, v1;
	vm13 =	vgt.f32 v51, v2  }
0x253: {  	v53 =	vld [tilespmem:s18+$0x7000];
	v3 =	vsel vm10, $0x2F, v3;
	vm0 =	vgt.f32 v51, v1;
	v2 =	vsel vm13, v51, v2  }
0x254: {  	v3 =	vsel vm4, v4, v3;
	v2 =	vsel vm0, v1, v2  }
0x255: {  	v54 =	vld [tilespmem:s18+$0x7080];
	v4 =	vsel vm4, $0x2F, v4;
	[tilespmem:$0x1FFE0] =	vst v6;
	v1 =	vsel vm0, v51, v1;
	vm14 =	vgt.f32 v52, v2  }
0x256: {  	v3 =	vsel vm15, $0x30, v3;
	v56 =	vld [tilespmem:$0x1FFE0];
	vm4 =	vgt.f32 v52, v1;
	v2 =	vsel vm14, v52, v2  }
0x257: {  	v3 =	vsel vm5, v4, v3;
	v2 =	vsel vm4, v1, v2  }
0x258: {  	v4 =	vsel vm5, $0x30, v4;
	v1 =	vsel vm4, v52, v1;
	vm10 =	vgt.f32 v53, v2  }
0x259: {  	v55 =	vld [tilespmem:s18+$0x7100];
	v3 =	vsel vm8, $0x31, v3;
	vm5 =	vgt.f32 v53, v1;
	v2 =	vsel vm10, v53, v2  }
0x25a: {  	v3 =	vsel vm6, v4, v3;
	v4 =	vsel vm6, $0x31, v4;
	v2 =	vsel vm5, v1, v2  }
0x25b: {  	vm15 =	vnez.u8 v56;
	v1 =	vsel vm5, v53, v1;
	vm8 =	vgt.f32 v54, v2  }
0x25c: {  	v57 =	vld [tilespmem:s18+$0x7180];
	v3 =	vsel vm15, $0x32, v3;
	vm6 =	vgt.f32 v54, v1;
	v2 =	vsel vm8, v54, v2  }
0x25d: {  	v3 =	vsel vm1, v4, v3;
	v2 =	vsel vm6, v1, v2  }
0x25e: {  	v4 =	vsel vm1, $0x32, v4;
	v1 =	vsel vm6, v54, v1;
	vm15 =	vgt.f32 v55, v2  }
0x25f: {  	v58 =	vld [tilespmem:s18+$0x7200];
	v3 =	vsel vm11, $0x33, v3;
	vm1 =	vgt.f32 v55, v1;
	v2 =	vsel vm15, v55, v2  }
0x260: {  	v3 =	vsel vm2, v4, v3;
	v2 =	vsel vm1, v1, v2  }
0x261: {  	v4 =	vsel vm2, $0x33, v4;
	v1 =	vsel vm1, v55, v1;
	vm2 =	vgt.f32 v57, v2  }
0x262: {  	v59 =	vld [tilespmem:s18+$0x7280];
	v3 =	vsel vm9, $0x34, v3;
	vm9 =	vgt.f32 v57, v1;
	v2 =	vsel vm2, v57, v2  }
0x263: {  	v3 =	vsel vm7, v4, v3;
	v2 =	vsel vm9, v1, v2  }
0x264: {  	v4 =	vsel vm7, $0x34, v4;
	v1 =	vsel vm9, v57, v1;
	vm11 =	vgt.f32 v58, v2  }
0x265: {  	v60 =	vld [tilespmem:s18+$0x7300];
	v3 =	vsel vm12, $0x35, v3;
	vm7 =	vgt.f32 v58, v1;
	v2 =	vsel vm11, v58, v2  }
0x266: {  	v3 =	vsel vm3, v4, v3;
	v2 =	vsel vm7, v1, v2  }
0x267: {  	v4 =	vsel vm3, $0x35, v4;
	v1 =	vsel vm7, v58, v1;
	vm12 =	vgt.f32 v59, v2  }
0x268: {  	v61 =	vld [tilespmem:s18+$0x7380];
	v3 =	vsel vm13, $0x36, v3;
	vm3 =	vgt.f32 v59, v1;
	v2 =	vsel vm12, v59, v2  }
0x269: {  	v3 =	vsel vm0, v4, v3;
	v4 =	vsel vm0, $0x36, v4;
	v2 =	vsel vm3, v1, v2  }
0x26a: {  	v3 =	vsel vm14, $0x37, v3;
	v1 =	vsel vm3, v59, v1;
	vm13 =	vgt.f32 v60, v2  }
0x26b: {  	v3 =	vsel vm4, v4, v3;
	vm0 =	vgt.f32 v60, v1;
	v2 =	vsel vm13, v60, v2  }
0x26c: {  	v4 =	vsel vm4, $0x37, v4;
	v3 =	vsel vm10, $0x38, v3;
	v2 =	vsel vm0, v1, v2  }
0x26d: {  	v3 =	vsel vm5, v4, v3;
	v1 =	vsel vm0, v60, v1;
	vm10 =	vgt.f32 v61, v2  }
0x26e: {  	v4 =	vsel vm5, $0x38, v4;
	vm14 =	vgt.f32 v61, v1;
	v2 =	vsel vm10, v61, v2  }
0x26f: {  	v3 =	vsel vm8, $0x39, v3;
	v2 =	vsel vm14, v1, v2;
	v1 =	vsel vm14, v61, v1  }
0x270: {  	v3 =	vsel vm6, v4, v3;
	v5 =	vadd.f32 v2, v1  }
0x271: {  	v4 =	vsel vm6, $0x39, v4;
	v3 =	vsel vm15, $0x3A, v3  }
0x272: {  	v3 =	vsel vm1, v4, v3;
	(erf) = vrcp.f32 v5  }
0x273: {  	v4 =	vsel vm1, $0x3A, v4;
	v3 =	vsel vm2, $0x3B, v3  }
0x274: {  	v3 =	vsel vm9, v4, v3  }
0x275: {  	v4 =	vsel vm9, $0x3B, v4;
	v3 =	vsel vm11, $0x3C, v3  }
0x276: {  	v3 =	vsel vm7, v4, v3  }
0x277: {  	v4 =	vsel vm7, $0x3C, v4;
	v3 =	vsel vm12, $0x3D, v3  }
0x278: {  	v3 =	vsel vm3, v4, v3  }
0x279: {  	s30 =	sshll.u32 s17, $0x5;
	v4 =	vsel vm3, $0x3D, v4;
	v3 =	vsel vm13, $0x3E, v3  }
0x27a: {  	s17 =	sand.u32 $0xFFFFFF00, s30;
	v3 =	vsel vm0, v4, v3;
	v4 =	vsel vm0, $0x3E, v4  }
0x27b: {  	s16 =	sor.u32 s16, s17;
	v3 =	vsel vm10, $0x3F, v3;
	v62 =	vsel vm14, $0x3F, v4;
	v63 =	vpop (erf)  }
0x27c: {  	s15 =	sshll.u32 s15, $0x1;
	v3 =	vsel vm14, v4, v3;
	[tilespmem:s16+$0x8400] =	vst v62;
	v1 =	vmul.f32 v63, v1  }
0x27d: {  	s15 =	sor.u32 s7, s15;
	[tilespmem:s16+$0x8480] =	vst v3;
	v2 =	vmul.f32 v63, v2  }
0x27e: {  	s15 =	sshrl.u32 s15, $0x3;
	[tilespmem:s16+$0x8000] =	vst v1  }
0x27f: {  	s31 =	sadd.s32 s1, s15;
	[tilespmem:s16+$0x8080] =	vst v2  }
0x280: {  	[hbm4b:s31+s4] =	stream.linear.scatter [tilespmem:s12], [sflag:$0x1], $0x400, $0x38;
	[tilespmem:$0x8800] =	vst v63  }
0x281: {  	_ =	swait.ge [sflag:s11], $0x400  }
0x282: {  	[sflag:s11] =	ssyncset.done $0x0  }
.Ltmp1:
0x283: {  	s15 =	sadd.s32 s3, s15;
	[sflag:s11] =	ssyncadd.s32 $0xFFFFFC00;
	(pc) =	sbr.rel @p0 .LBB2_2-.Ltmp1, $4  }
0x284: {  	[hbm4b:s15+s4] =	stream.linear.scatter [tilespmem:s13], [sflag:$0x1], $0x400, $0x38;
	[tilespmem:$0x8800] =	vst v63  }
0x285: {  	_ =	swait.ge [sflag:s11], $0x400  }
0x286: {  	[sflag:s11] =	ssyncset.done $0x0  }
0x287: {  	p1 =	por $0x0, $0x0;
	s15 =	simm.s32 $0x200;
	[sflag:s11] =	ssyncadd.s32 $0xFFFFFC00  }
0x288: {  	s14 =	sadd.s32 $0x1, s14  }
0x289: {  	p0 =	sne.s32 s14, s8  }
.Ltmp2:
0x28a: {  	_ = 	snop;
	(pc) =	sbr.rel @p0 .LBB2_1-.Ltmp2, $1  }
0x28b: {  	_ =	sdelay $0x3  }
0x28c: {  	_ =	sfence.sel $0x180000  }
0x28d: {  	[bflag:$0x0] =	sbarrier.arrive $0xFFFF  }
0x28e: {  	p0 =	sne.s32 s2, $0x0;
	_ =	strace $0x90000047  }
0x28f: {  	s0 =	sadd.s32 @!p0 $0x100000, s0;
	[bflag:$0x2] =	sbarrier.arrive $0xFFFF  }
0x290: {  	[sflag:s0] =	ssyncadd.tile.s32 @!p0 $0x1;
	_ =	shalt  }
.Lfunc_end2:
_tile_overlayer_lowered:
.L_overlay_start_2:
0x291: {  	(tag) =	ssettag $0x2  }
0x292: {  	s0 =	rddreg [dreg:$0x0];
	s2 =	stileid.u32  }
0x293: {  	s1 =	rddreg [dreg:$0x1];
	p0 =	sne.s32 s2, $0x0  }
0x294: {  	s3 =	rddreg [dreg:$0x2];
	[bflag:$0x3] =	sbarrier.arrive $0xFFFF;
	s2 =	simm.s32 @!p0 $0x1C01  }
0x295: {  	[timem:s3], [sflag:s2] =	dma.local @!p0 [hbm:s0], s1  }
0x296: {  	s0 =	simm.s32 @!p0 $0x1  }
0x297: {  	_ =	swait.ge @!p0 [sflag:s0], s1  }
0x298: {  	s1 =	ssub.s32 @!p0 $0x0, s1;
	[sflag:s0] =	ssyncset.done @!p0 $0x0  }
0x299: {  	[sflag:s0] =	ssyncadd.s32 @!p0 s1  }
0x29a: {  	[bflag:$0x3] =	sbarrier.arrive $0xFFFF  }
0x29b: {  	_ =	shalt  }

</sc_bundles>
